<compile_context>
chip_gen: v7x
topology: tpu7x:2x2x1
jax: 0.10.2.dev20260603
libtpu: 0.0.44.dev20260713+nightly
codegen_flags: <defaults>
</compile_context>

<pallas_src>
import functools

import jax
import jax.numpy as jnp
from jax import lax
from jax.experimental import pallas as pl
from jax.experimental.pallas import tpu as pltpu
from jax.experimental.pallas import tpu_sc as plsc

H = 256
W = 256
B = 8
N = 65536

NC = 2
NS = 16
LANES = 16

BPC = B // NC
PPC = BPC * N
PPT = PPC // NS
CH = 4096
NCH = PPT // CH
VECS = CH // LANES
ROWS = CH // 128

GBINS = BPC * H * W
GSZ = GBINS + 128


def _project_scatter(xs, ys, zs, dens):
    mesh = plsc.VectorSubcoreMesh(
        core_axis_name="c", subcore_axis_name="s",
        num_cores=NC, num_subcores=NS)

    @functools.partial(
        pl.kernel,
        out_type=jax.ShapeDtypeStruct((B * N,), jnp.float32),
        mesh=mesh,
        compiler_params=pltpu.CompilerParams(needs_layout_passes=False),
        scratch_types=[
            pltpu.VMEM((NCH, CH), jnp.float32),
            pltpu.VMEM((NCH, CH), jnp.float32),
            pltpu.VMEM((NCH, CH), jnp.float32),
            pltpu.VMEM((NCH, CH), jnp.float32),
            pltpu.VMEM((NCH * ROWS, 128), jnp.int32),
            pltpu.VMEM((NCH * ROWS, 128), jnp.float32),
            pltpu.VMEM((CH, ), jnp.float32),
            pltpu.VMEM_SHARED((GSZ,), jnp.float32),
            [pltpu.SemaphoreType.DMA] * NCH,
            pltpu.SemaphoreType.DMA,
        ],
    )
    def k(xs_hbm, ys_hbm, zs_hbm, dens_hbm, out_hbm,
          xs_v, ys_v, zs_v_, dens_v, idx_v, upd_v, zbuf_v,
          grid_sh, sem_in, sem_sc):
        cid = lax.axis_index("c")
        sid = lax.axis_index("s")

        b = cid * BPC + sid // (NS // BPC)
        boff = (sid // (NS // BPC)) * (H * W)
        p0 = (sid % (NS // BPC)) * PPT
        dummy = GBINS + sid * 8

        in_handles = []
        for ch in range(NCH):
            g0 = p0 + ch * CH
            in_handles.append([
                pltpu.async_copy(src.at[b, pl.ds(g0, CH)], dst.at[ch],
                                 sem_in[ch])
                for src, dst in ((xs_hbm, xs_v), (ys_hbm, ys_v),
                                 (zs_hbm, zs_v_), (dens_hbm, dens_v))
            ])

        zero16 = jnp.zeros((LANES,), jnp.float32)

        @pl.loop(0, CH, step=LANES)
        def _(i):
            zbuf_v[pl.ds(i, LANES)] = zero16

        for t in range(PPT // CH):
            pltpu.sync_copy(zbuf_v, grid_sh.at[pl.ds(sid * PPT + t * CH, CH)])

        @pl.when(sid == 0)
        def _():
            pltpu.sync_copy(zbuf_v.at[pl.ds(0, 128)],
                            grid_sh.at[pl.ds(GBINS, 128)])

        plsc.subcore_barrier()

        for ch in range(NCH):
            for h in in_handles[ch]:
                h.wait()

            @pl.loop(0, ROWS)
            def _(j):
                gj = ch * ROWS + j

                @pl.loop(0, 8)
                def _(kk):
                    i = j * 8 + kk
                    x = xs_v[ch, pl.ds(i * LANES, LANES)]
                    y = ys_v[ch, pl.ds(i * LANES, LANES)]
                    z = zs_v_[ch, pl.ds(i * LANES, LANES)]
                    d = dens_v[ch, pl.ds(i * LANES, LANES)]
                    r = 1.0 / z
                    u = x * r + 0.5
                    v = y * r + 0.5
                    uf = jnp.minimum(jnp.maximum(u * float(W), 0.0),
                                     float(W - 1))
                    vf = jnp.minimum(jnp.maximum(v * float(H), 0.0),
                                     float(H - 1))
                    ui = uf.astype(jnp.int32)
                    vi = vf.astype(jnp.int32)
                    keep = d > 0.5
                    contrib = jnp.where(keep, z * d, 0.0)
                    bin_ = jnp.where(keep, boff + vi * W + ui, dummy)
                    idx_v[gj, pl.ds(kk * LANES, LANES)] = bin_
                    upd_v[gj, pl.ds(kk * LANES, LANES)] = contrib

                pltpu.async_copy(upd_v.at[gj], grid_sh.at[idx_v.at[gj]],
                                 sem_sc, add=True)

        @pl.loop(0, NCH * ROWS)
        def _(j):
            pltpu.make_async_copy(out_hbm.at[pl.ds(0, 128)], upd_v.at[0],
                                  sem_sc).wait()

        plsc.subcore_barrier()

        pltpu.sync_copy(grid_sh.at[pl.ds(sid * PPT, PPT)],
                        out_hbm.at[pl.ds(cid * PPC + sid * PPT, PPT)])

    return k(xs, ys, zs, dens)


def _conv_body(imgp_ref, w_ref, b_ref, out_ref):
    acc = jnp.zeros((H, W), jnp.float32)
    for c in range(3):
        for dh in range(3):
            for dw in range(3):
                acc = acc + (w_ref[c * 9 + dh * 3 + dw] *
                             imgp_ref[0, c, dh:dh + H, dw:dw + W])
    out_ref[0] = jnp.maximum(acc + b_ref[0], 0.0)


def _conv(imgp, w_flat, b_conv):
    return pl.pallas_call(
        _conv_body,
        grid=(B,),
        in_specs=[
            pl.BlockSpec((1, 3, H + 2, W + 2), lambda b: (b, 0, 0, 0)),
            pl.BlockSpec(memory_space=pltpu.SMEM),
            pl.BlockSpec(memory_space=pltpu.SMEM),
        ],
        out_specs=pl.BlockSpec((1, H, W), lambda b: (b, 0, 0)),
        out_shape=jax.ShapeDtypeStruct((B, H, W), jnp.float32),
    )(imgp, w_flat, b_conv)


def _loss_body(proj_ref, depth_ref, out_ref):
    p = proj_ref[...]
    dpt = depth_ref[...]
    m = (p > 0.0).astype(jnp.float32)
    diff = p - dpt
    ssq = jnp.sum(diff * diff * m)
    sm = jnp.sum(m)
    out_ref[0, 0] = ssq / jnp.maximum(sm, 1.0)


def _loss(proj2d, depth2d):
    return pl.pallas_call(
        _loss_body,
        out_specs=pl.BlockSpec(memory_space=pltpu.SMEM),
        out_shape=jax.ShapeDtypeStruct((1, 1), jnp.float32),
    )(proj2d, depth2d)


def kernel(images, points, densities, W_conv, b_conv):
    imgp = jnp.pad(images, ((0, 0), (0, 0), (1, 1), (1, 1)))
    w_flat = W_conv.reshape(27)
    depth = _conv(imgp, w_flat, b_conv)
    proj = _project_scatter(points[:, :, 0], points[:, :, 1],
                            points[:, :, 2], densities[:, :, 0])
    loss = _loss(proj.reshape(512, 1024), depth.reshape(512, 1024))
    return loss[0, 0]

# --- scband reference (transcript-rebuilt; emitter-appended) ---
"""Pipeline reference for scband-depth-consistency-loss-24163486008062 (READ-ONLY COPY).

The authoritative reference and input builder live on the scoring server;
editing this copy changes nothing except your own understanding.
"""

import jax, jax.numpy as jnp
import numpy as np

H = 256
W = 256

def depth_estimator(images, W_conv, b_conv):
    # Stub DepthEstimator (undefined in source): single 3x3 conv 3->1 + ReLU, same spatial size
    out = jax.lax.conv_general_dilated(
        images, W_conv, window_strides=(1, 1), padding='SAME',
        dimension_numbers=('NCHW', 'OIHW', 'NCHW'))
    out = out + b_conv[None, :, None, None]
    depth = jax.nn.relu(out)
    return depth, out

def project_points_to_depth(points, densities):
    B, N, _ = points.shape
    fx = fy = 1.0
    cx = cy = 0.5
    x = points[:, :, 0]
    y = points[:, :, 1]
    z = points[:, :, 2]
    u = fx * x / z + cx
    v = fy * y / z + cy
    # torch: (u*W).long().clamp(0, W-1)  == trunc-toward-zero then clamp
    u_idx = jnp.clip(jnp.trunc(u * W), 0, W - 1).astype(jnp.int32)
    v_idx = jnp.clip(jnp.trunc(v * H), 0, H - 1).astype(jnp.int32)
    dens = densities[:, :, 0]
    # loop body: if densities > 0.5: depth[b,0,v,u] += z * density
    contrib = jnp.where(dens > 0.5, z * dens, 0.0)
    b_idx = jnp.broadcast_to(jnp.arange(B)[:, None], (B, N))
    flat = (b_idx * H + v_idx) * W + u_idx
    depth = jnp.zeros(B * H * W, dtype=jnp.float32).at[flat.reshape(-1)].add(contrib.reshape(-1))
    return depth.reshape(B, 1, H, W)

def setup_inputs(seed: int = 0) -> dict:
    key = jax.random.key(seed)
    k1, k2, k3, k4 = jax.random.split(key, 4)
    images = jax.random.normal(k1, (8, 3, 256, 256), dtype=jnp.float32)
    points = jax.random.normal(k2, (8, 65536, 3), dtype=jnp.float32)
    densities = jax.random.uniform(k3, (8, 65536, 1), dtype=jnp.float32)
    W_conv = jax.random.normal(k4, (1, 3, 3, 3), dtype=jnp.float32) * 0.1
    b_conv = jnp.zeros((1,), dtype=jnp.float32)
    return {"images": images, "points": points, "densities": densities,
            "W_conv": W_conv, "b_conv": b_conv}

def reference(images, points, densities, W_conv, b_conv):
    depth, _ = depth_estimator(images, W_conv, b_conv)
    projected = project_points_to_depth(points, densities)
    mask = (projected > 0).astype(jnp.float32)
    # F.mse_loss(projected[mask], depth[mask]) with mean reduction
    sq = (projected - depth) ** 2 * mask
    loss = jnp.sum(sq) / jnp.maximum(jnp.sum(mask), 1.0)
    return loss

if __name__ == "__main__":
    import jax
    _d = setup_inputs()
    print(jax.jit(kernel)(*tuple(_d.values())))

</pallas_src>

<mosaic_0001>
#map = affine_map<(d0, d1) -> (0, 0)>
#map1 = affine_map<(d0, d1) -> (0)>
module attributes {stable_mosaic.version = 14 : i64} {
  func.func @k(%arg0: i32, %arg1: i32, %arg2: memref<8x65536xf32, #tpu.memory_space<hbm>>, %arg3: memref<8x65536xf32, #tpu.memory_space<hbm>>, %arg4: memref<8x65536xf32, #tpu.memory_space<hbm>>, %arg5: memref<8x65536xf32, #tpu.memory_space<hbm>>, %arg6: memref<524288xf32, #tpu.memory_space<hbm>>, %arg7: memref<4x4096xf32, #tpu.memory_space<vmem>>, %arg8: memref<4x4096xf32, #tpu.memory_space<vmem>>, %arg9: memref<4x4096xf32, #tpu.memory_space<vmem>>, %arg10: memref<4x4096xf32, #tpu.memory_space<vmem>>, %arg11: memref<128x128xi32, #tpu.memory_space<vmem>>, %arg12: memref<128x128xf32, #tpu.memory_space<vmem>>, %arg13: memref<4096xf32, #tpu.memory_space<vmem>>, %arg14: memref<262272xf32, #tpu.memory_space<vmem_shared>>, %arg15: memref<!tpu.dma_semaphore, #tpu.memory_space<semaphore_mem>>, %arg16: memref<!tpu.dma_semaphore, #tpu.memory_space<semaphore_mem>>, %arg17: memref<!tpu.dma_semaphore, #tpu.memory_space<semaphore_mem>>, %arg18: memref<!tpu.dma_semaphore, #tpu.memory_space<semaphore_mem>>, %arg19: memref<!tpu.dma_semaphore, #tpu.memory_space<semaphore_mem>>) attributes {dimension_semantics = [#tpu.dimension_semantics<core_parallel>, #tpu.dimension_semantics<subcore_parallel>], iteration_bounds = array<i64: 2, 16>, scalar_prefetch = 0 : i64, scratch_operands = 13 : i64, tpu.core_type = #tpu.core_type<sc_vector_subcore>, window_params = [{transform_indices = #map}, {transform_indices = #map}, {transform_indices = #map}, {transform_indices = #map}, {transform_indices = #map1}]} {
    %mul3A = arith.constant 4 : i32
    %mul3A_0 = arith.muli %arg0, %mul3A : i32
    %jit3A = arith.constant 4 : i32
    %div3A = arith.divsi %arg1, %jit3A : i32
    %sign3A = arith.constant 0 : i32
    %sign3A_1 = arith.cmpi sgt, %arg1, %sign3A : i32
    %sign3A_2 = arith.extui %sign3A_1 : i1 to i32
    %sign3A_3 = arith.constant 0 : i32
    %sign3A_4 = arith.cmpi slt, %arg1, %sign3A_3 : i32
    %sign3A_5 = arith.extui %sign3A_4 : i1 to i32
    %sign3A_6 = arith.subi %sign3A_2, %sign3A_5 : i32
    %sign3A_7 = arith.constant 0 : i32
    %sign3A_8 = arith.cmpi sgt, %jit3A, %sign3A_7 : i32
    %sign3A_9 = arith.extui %sign3A_8 : i1 to i32
    %sign3A_10 = arith.constant 0 : i32
    %sign3A_11 = arith.cmpi slt, %jit3A, %sign3A_10 : i32
    %sign3A_12 = arith.extui %sign3A_11 : i1 to i32
    %sign3A_13 = arith.subi %sign3A_9, %sign3A_12 : i32
    %ne3A = arith.cmpi ne, %sign3A_6, %sign3A_13 : i32
    %rem3A = arith.remsi %arg1, %jit3A : i32
    %ne3A_14 = arith.constant 0 : i32
    %ne3A_15 = arith.cmpi ne, %rem3A, %ne3A_14 : i32
    %and3A = arith.andi %ne3A, %ne3A_15 : i1
    %sub3A = arith.constant 1 : i32
    %sub3A_16 = arith.subi %div3A, %sub3A : i32
    %select_n3A = arith.select %and3A, %sub3A_16, %div3A : i32
    %add3A = arith.addi %mul3A_0, %select_n3A : i32
    %jit3A_17 = arith.constant 4 : i32
    %div3A_18 = arith.divsi %arg1, %jit3A_17 : i32
    %sign3A_19 = arith.constant 0 : i32
    %sign3A_20 = arith.cmpi sgt, %arg1, %sign3A_19 : i32
    %sign3A_21 = arith.extui %sign3A_20 : i1 to i32
    %sign3A_22 = arith.constant 0 : i32
    %sign3A_23 = arith.cmpi slt, %arg1, %sign3A_22 : i32
    %sign3A_24 = arith.extui %sign3A_23 : i1 to i32
    %sign3A_25 = arith.subi %sign3A_21, %sign3A_24 : i32
    %sign3A_26 = arith.constant 0 : i32
    %sign3A_27 = arith.cmpi sgt, %jit3A_17, %sign3A_26 : i32
    %sign3A_28 = arith.extui %sign3A_27 : i1 to i32
    %sign3A_29 = arith.constant 0 : i32
    %sign3A_30 = arith.cmpi slt, %jit3A_17, %sign3A_29 : i32
    %sign3A_31 = arith.extui %sign3A_30 : i1 to i32
    %sign3A_32 = arith.subi %sign3A_28, %sign3A_31 : i32
    %ne3A_33 = arith.cmpi ne, %sign3A_25, %sign3A_32 : i32
    %rem3A_34 = arith.remsi %arg1, %jit3A_17 : i32
    %ne3A_35 = arith.constant 0 : i32
    %ne3A_36 = arith.cmpi ne, %rem3A_34, %ne3A_35 : i32
    %and3A_37 = arith.andi %ne3A_33, %ne3A_36 : i1
    %sub3A_38 = arith.constant 1 : i32
    %sub3A_39 = arith.subi %div3A_18, %sub3A_38 : i32
    %select_n3A_40 = arith.select %and3A_37, %sub3A_39, %div3A_18 : i32
    %mul3A_41 = arith.constant 65536 : i32
    %mul3A_42 = arith.muli %select_n3A_40, %mul3A_41 : i32
    %jit3A_43 = arith.constant 4 : i32
    %eq3A = arith.constant 0 : i32
    %eq3A_44 = arith.cmpi eq, %jit3A_43, %eq3A : i32
    %jit3A_45 = arith.constant 1 : i32
    %select_n3A_46 = arith.select %eq3A_44, %jit3A_45, %jit3A_43 : i32
    %rem3A_47 = arith.remsi %arg1, %select_n3A_46 : i32
    %ne3A_48 = arith.constant 0 : i32
    %ne3A_49 = arith.cmpi ne, %rem3A_47, %ne3A_48 : i32
    %lt3A = arith.constant 0 : i32
    %lt3A_50 = arith.cmpi slt, %rem3A_47, %lt3A : i32
    %lt3A_51 = arith.constant 0 : i32
    %lt3A_52 = arith.cmpi slt, %select_n3A_46, %lt3A_51 : i32
    %ne3A_53 = arith.xori %lt3A_50, %lt3A_52 : i1
    %and3A_54 = arith.andi %ne3A_53, %ne3A_49 : i1
    %add3A_55 = arith.addi %rem3A_47, %select_n3A_46 : i32
    %select_n3A_56 = arith.select %and3A_54, %add3A_55, %rem3A_47 : i32
    %mul3A_57 = arith.constant 16384 : i32
    %mul3A_58 = arith.muli %select_n3A_56, %mul3A_57 : i32
    %mul3A_59 = arith.constant 8 : i32
    %mul3A_60 = arith.muli %arg1, %mul3A_59 : i32
    %add3A_61 = arith.constant 262144 : i32
    %add3A_62 = arith.addi %add3A_61, %mul3A_60 : i32
    %add3A_63 = arith.constant 0 : i32
    %add3A_64 = arith.addi %mul3A_58, %add3A_63 : i32
    %dma_start3A = arith.constant 0 : i32
    %dma_start3A_65 = arith.constant 0 : i32
    %dma_start3A_66 = tpu.memref_slice %arg7[%dma_start3A, %dma_start3A_65] : memref<4x4096xf32, #tpu.memory_space<vmem>> -> memref<1x4096xf32, #tpu.memory_space<vmem>>
    %dma_start3A_67 = tpu.memref_squeeze %dma_start3A_66 : memref<1x4096xf32, #tpu.memory_space<vmem>> -> memref<4096xf32, #tpu.memory_space<vmem>>
    %dma_start3A_68 = tpu.memref_slice %arg2[%add3A, %add3A_64] : memref<8x65536xf32, #tpu.memory_space<hbm>> -> memref<1x4096xf32, #tpu.memory_space<hbm>>
    %dma_start3A_69 = tpu.memref_squeeze %dma_start3A_68 : memref<1x4096xf32, #tpu.memory_space<hbm>> -> memref<4096xf32, #tpu.memory_space<hbm>>
    %dma_start3A_70 = arith.constant 0 : i32
    %dma_start3A_71 = tpu.memref_slice %arg7[%dma_start3A, %dma_start3A_70] : memref<4x4096xf32, #tpu.memory_space<vmem>> -> memref<1x4096xf32, #tpu.memory_space<vmem>>
    %dma_start3A_72 = tpu.memref_squeeze %dma_start3A_71 : memref<1x4096xf32, #tpu.memory_space<vmem>> -> memref<4096xf32, #tpu.memory_space<vmem>>
    %dma_start3A_73 = tpu.memref_slice %arg2[%add3A, %add3A_64] : memref<8x65536xf32, #tpu.memory_space<hbm>> -> memref<1x4096xf32, #tpu.memory_space<hbm>>
    %dma_start3A_74 = tpu.memref_squeeze %dma_start3A_73 : memref<1x4096xf32, #tpu.memory_space<hbm>> -> memref<4096xf32, #tpu.memory_space<hbm>>
    tpu.enqueue_dma source(%dma_start3A_74 : memref<4096xf32, #tpu.memory_space<hbm>>) target(%dma_start3A_72 : memref<4096xf32, #tpu.memory_space<vmem>>) target_semaphore(%arg15 : memref<!tpu.dma_semaphore, #tpu.memory_space<semaphore_mem>>)
    %dma_start3A_75 = arith.constant 0 : i32
    %dma_start3A_76 = arith.constant 0 : i32
    %dma_start3A_77 = tpu.memref_slice %arg8[%dma_start3A_75, %dma_start3A_76] : memref<4x4096xf32, #tpu.memory_space<vmem>> -> memref<1x4096xf32, #tpu.memory_space<vmem>>
    %dma_start3A_78 = tpu.memref_squeeze %dma_start3A_77 : memref<1x4096xf32, #tpu.memory_space<vmem>> -> memref<4096xf32, #tpu.memory_space<vmem>>
    %dma_start3A_79 = tpu.memref_slice %arg3[%add3A, %add3A_64] : memref<8x65536xf32, #tpu.memory_space<hbm>> -> memref<1x4096xf32, #tpu.memory_space<hbm>>
    %dma_start3A_80 = tpu.memref_squeeze %dma_start3A_79 : memref<1x4096xf32, #tpu.memory_space<hbm>> -> memref<4096xf32, #tpu.memory_space<hbm>>
    %dma_start3A_81 = arith.constant 0 : i32
    %dma_start3A_82 = tpu.memref_slice %arg8[%dma_start3A_75, %dma_start3A_81] : memref<4x4096xf32, #tpu.memory_space<vmem>> -> memref<1x4096xf32, #tpu.memory_space<vmem>>
    %dma_start3A_83 = tpu.memref_squeeze %dma_start3A_82 : memref<1x4096xf32, #tpu.memory_space<vmem>> -> memref<4096xf32, #tpu.memory_space<vmem>>
    %dma_start3A_84 = tpu.memref_slice %arg3[%add3A, %add3A_64] : memref<8x65536xf32, #tpu.memory_space<hbm>> -> memref<1x4096xf32, #tpu.memory_space<hbm>>
    %dma_start3A_85 = tpu.memref_squeeze %dma_start3A_84 : memref<1x4096xf32, #tpu.memory_space<hbm>> -> memref<4096xf32, #tpu.memory_space<hbm>>
    tpu.enqueue_dma source(%dma_start3A_85 : memref<4096xf32, #tpu.memory_space<hbm>>) target(%dma_start3A_83 : memref<4096xf32, #tpu.memory_space<vmem>>) target_semaphore(%arg15 : memref<!tpu.dma_semaphore, #tpu.memory_space<semaphore_mem>>)
    %dma_start3A_86 = arith.constant 0 : i32
    %dma_start3A_87 = arith.constant 0 : i32
    %dma_start3A_88 = tpu.memref_slice %arg9[%dma_start3A_86, %dma_start3A_87] : memref<4x4096xf32, #tpu.memory_space<vmem>> -> memref<1x4096xf32, #tpu.memory_space<vmem>>
    %dma_start3A_89 = tpu.memref_squeeze %dma_start3A_88 : memref<1x4096xf32, #tpu.memory_space<vmem>> -> memref<4096xf32, #tpu.memory_space<vmem>>
    %dma_start3A_90 = tpu.memref_slice %arg4[%add3A, %add3A_64] : memref<8x65536xf32, #tpu.memory_space<hbm>> -> memref<1x4096xf32, #tpu.memory_space<hbm>>
    %dma_start3A_91 = tpu.memref_squeeze %dma_start3A_90 : memref<1x4096xf32, #tpu.memory_space<hbm>> -> memref<4096xf32, #tpu.memory_space<hbm>>
    %dma_start3A_92 = arith.constant 0 : i32
    %dma_start3A_93 = tpu.memref_slice %arg9[%dma_start3A_86, %dma_start3A_92] : memref<4x4096xf32, #tpu.memory_space<vmem>> -> memref<1x4096xf32, #tpu.memory_space<vmem>>
    %dma_start3A_94 = tpu.memref_squeeze %dma_start3A_93 : memref<1x4096xf32, #tpu.memory_space<vmem>> -> memref<4096xf32, #tpu.memory_space<vmem>>
    %dma_start3A_95 = tpu.memref_slice %arg4[%add3A, %add3A_64] : memref<8x65536xf32, #tpu.memory_space<hbm>> -> memref<1x4096xf32, #tpu.memory_space<hbm>>
    %dma_start3A_96 = tpu.memref_squeeze %dma_start3A_95 : memref<1x4096xf32, #tpu.memory_space<hbm>> -> memref<4096xf32, #tpu.memory_space<hbm>>
    tpu.enqueue_dma source(%dma_start3A_96 : memref<4096xf32, #tpu.memory_space<hbm>>) target(%dma_start3A_94 : memref<4096xf32, #tpu.memory_space<vmem>>) target_semaphore(%arg15 : memref<!tpu.dma_semaphore, #tpu.memory_space<semaphore_mem>>)
    %dma_start3A_97 = arith.constant 0 : i32
    %dma_start3A_98 = arith.constant 0 : i32
    %dma_start3A_99 = tpu.memref_slice %arg10[%dma_start3A_97, %dma_start3A_98] : memref<4x4096xf32, #tpu.memory_space<vmem>> -> memref<1x4096xf32, #tpu.memory_space<vmem>>
    %dma_start3A_100 = tpu.memref_squeeze %dma_start3A_99 : memref<1x4096xf32, #tpu.memory_space<vmem>> -> memref<4096xf32, #tpu.memory_space<vmem>>
    %dma_start3A_101 = tpu.memref_slice %arg5[%add3A, %add3A_64] : memref<8x65536xf32, #tpu.memory_space<hbm>> -> memref<1x4096xf32, #tpu.memory_space<hbm>>
    %dma_start3A_102 = tpu.memref_squeeze %dma_start3A_101 : memref<1x4096xf32, #tpu.memory_space<hbm>> -> memref<4096xf32, #tpu.memory_space<hbm>>
    %dma_start3A_103 = arith.constant 0 : i32
    %dma_start3A_104 = tpu.memref_slice %arg10[%dma_start3A_97, %dma_start3A_103] : memref<4x4096xf32, #tpu.memory_space<vmem>> -> memref<1x4096xf32, #tpu.memory_space<vmem>>
    %dma_start3A_105 = tpu.memref_squeeze %dma_start3A_104 : memref<1x4096xf32, #tpu.memory_space<vmem>> -> memref<4096xf32, #tpu.memory_space<vmem>>
    %dma_start3A_106 = tpu.memref_slice %arg5[%add3A, %add3A_64] : memref<8x65536xf32, #tpu.memory_space<hbm>> -> memref<1x4096xf32, #tpu.memory_space<hbm>>
    %dma_start3A_107 = tpu.memref_squeeze %dma_start3A_106 : memref<1x4096xf32, #tpu.memory_space<hbm>> -> memref<4096xf32, #tpu.memory_space<hbm>>
    tpu.enqueue_dma source(%dma_start3A_107 : memref<4096xf32, #tpu.memory_space<hbm>>) target(%dma_start3A_105 : memref<4096xf32, #tpu.memory_space<vmem>>) target_semaphore(%arg15 : memref<!tpu.dma_semaphore, #tpu.memory_space<semaphore_mem>>)
    %add3A_108 = arith.constant 4096 : i32
    %add3A_109 = arith.addi %mul3A_58, %add3A_108 : i32
    %dma_start3A_110 = arith.constant 1 : i32
    %dma_start3A_111 = arith.constant 0 : i32
    %dma_start3A_112 = tpu.memref_slice %arg7[%dma_start3A_110, %dma_start3A_111] : memref<4x4096xf32, #tpu.memory_space<vmem>> -> memref<1x4096xf32, #tpu.memory_space<vmem>>
    %dma_start3A_113 = tpu.memref_squeeze %dma_start3A_112 : memref<1x4096xf32, #tpu.memory_space<vmem>> -> memref<4096xf32, #tpu.memory_space<vmem>>
    %dma_start3A_114 = tpu.memref_slice %arg2[%add3A, %add3A_109] : memref<8x65536xf32, #tpu.memory_space<hbm>> -> memref<1x4096xf32, #tpu.memory_space<hbm>>
    %dma_start3A_115 = tpu.memref_squeeze %dma_start3A_114 : memref<1x4096xf32, #tpu.memory_space<hbm>> -> memref<4096xf32, #tpu.memory_space<hbm>>
    %dma_start3A_116 = arith.constant 0 : i32
    %dma_start3A_117 = tpu.memref_slice %arg7[%dma_start3A_110, %dma_start3A_116] : memref<4x4096xf32, #tpu.memory_space<vmem>> -> memref<1x4096xf32, #tpu.memory_space<vmem>>
    %dma_start3A_118 = tpu.memref_squeeze %dma_start3A_117 : memref<1x4096xf32, #tpu.memory_space<vmem>> -> memref<4096xf32, #tpu.memory_space<vmem>>
    %dma_start3A_119 = tpu.memref_slice %arg2[%add3A, %add3A_109] : memref<8x65536xf32, #tpu.memory_space<hbm>> -> memref<1x4096xf32, #tpu.memory_space<hbm>>
    %dma_start3A_120 = tpu.memref_squeeze %dma_start3A_119 : memref<1x4096xf32, #tpu.memory_space<hbm>> -> memref<4096xf32, #tpu.memory_space<hbm>>
    tpu.enqueue_dma source(%dma_start3A_120 : memref<4096xf32, #tpu.memory_space<hbm>>) target(%dma_start3A_118 : memref<4096xf32, #tpu.memory_space<vmem>>) target_semaphore(%arg16 : memref<!tpu.dma_semaphore, #tpu.memory_space<semaphore_mem>>)
    %dma_start3A_121 = arith.constant 1 : i32
    %dma_start3A_122 = arith.constant 0 : i32
    %dma_start3A_123 = tpu.memref_slice %arg8[%dma_start3A_121, %dma_start3A_122] : memref<4x4096xf32, #tpu.memory_space<vmem>> -> memref<1x4096xf32, #tpu.memory_space<vmem>>
    %dma_start3A_124 = tpu.memref_squeeze %dma_start3A_123 : memref<1x4096xf32, #tpu.memory_space<vmem>> -> memref<4096xf32, #tpu.memory_space<vmem>>
    %dma_start3A_125 = tpu.memref_slice %arg3[%add3A, %add3A_109] : memref<8x65536xf32, #tpu.memory_space<hbm>> -> memref<1x4096xf32, #tpu.memory_space<hbm>>
    %dma_start3A_126 = tpu.memref_squeeze %dma_start3A_125 : memref<1x4096xf32, #tpu.memory_space<hbm>> -> memref<4096xf32, #tpu.memory_space<hbm>>
    %dma_start3A_127 = arith.constant 0 : i32
    %dma_start3A_128 = tpu.memref_slice %arg8[%dma_start3A_121, %dma_start3A_127] : memref<4x4096xf32, #tpu.memory_space<vmem>> -> memref<1x4096xf32, #tpu.memory_space<vmem>>
    %dma_start3A_129 = tpu.memref_squeeze %dma_start3A_128 : memref<1x4096xf32, #tpu.memory_space<vmem>> -> memref<4096xf32, #tpu.memory_space<vmem>>
    %dma_start3A_130 = tpu.memref_slice %arg3[%add3A, %add3A_109] : memref<8x65536xf32, #tpu.memory_space<hbm>> -> memref<1x4096xf32, #tpu.memory_space<hbm>>
    %dma_start3A_131 = tpu.memref_squeeze %dma_start3A_130 : memref<1x4096xf32, #tpu.memory_space<hbm>> -> memref<4096xf32, #tpu.memory_space<hbm>>
    tpu.enqueue_dma source(%dma_start3A_131 : memref<4096xf32, #tpu.memory_space<hbm>>) target(%dma_start3A_129 : memref<4096xf32, #tpu.memory_space<vmem>>) target_semaphore(%arg16 : memref<!tpu.dma_semaphore, #tpu.memory_space<semaphore_mem>>)
    %dma_start3A_132 = arith.constant 1 : i32
    %dma_start3A_133 = arith.constant 0 : i32
    %dma_start3A_134 = tpu.memref_slice %arg9[%dma_start3A_132, %dma_start3A_133] : memref<4x4096xf32, #tpu.memory_space<vmem>> -> memref<1x4096xf32, #tpu.memory_space<vmem>>
    %dma_start3A_135 = tpu.memref_squeeze %dma_start3A_134 : memref<1x4096xf32, #tpu.memory_space<vmem>> -> memref<4096xf32, #tpu.memory_space<vmem>>
    %dma_start3A_136 = tpu.memref_slice %arg4[%add3A, %add3A_109] : memref<8x65536xf32, #tpu.memory_space<hbm>> -> memref<1x4096xf32, #tpu.memory_space<hbm>>
    %dma_start3A_137 = tpu.memref_squeeze %dma_start3A_136 : memref<1x4096xf32, #tpu.memory_space<hbm>> -> memref<4096xf32, #tpu.memory_space<hbm>>
    %dma_start3A_138 = arith.constant 0 : i32
    %dma_start3A_139 = tpu.memref_slice %arg9[%dma_start3A_132, %dma_start3A_138] : memref<4x4096xf32, #tpu.memory_space<vmem>> -> memref<1x4096xf32, #tpu.memory_space<vmem>>
    %dma_start3A_140 = tpu.memref_squeeze %dma_start3A_139 : memref<1x4096xf32, #tpu.memory_space<vmem>> -> memref<4096xf32, #tpu.memory_space<vmem>>
    %dma_start3A_141 = tpu.memref_slice %arg4[%add3A, %add3A_109] : memref<8x65536xf32, #tpu.memory_space<hbm>> -> memref<1x4096xf32, #tpu.memory_space<hbm>>
    %dma_start3A_142 = tpu.memref_squeeze %dma_start3A_141 : memref<1x4096xf32, #tpu.memory_space<hbm>> -> memref<4096xf32, #tpu.memory_space<hbm>>
    tpu.enqueue_dma source(%dma_start3A_142 : memref<4096xf32, #tpu.memory_space<hbm>>) target(%dma_start3A_140 : memref<4096xf32, #tpu.memory_space<vmem>>) target_semaphore(%arg16 : memref<!tpu.dma_semaphore, #tpu.memory_space<semaphore_mem>>)
    %dma_start3A_143 = arith.constant 1 : i32
    %dma_start3A_144 = arith.constant 0 : i32
    %dma_start3A_145 = tpu.memref_slice %arg10[%dma_start3A_143, %dma_start3A_144] : memref<4x4096xf32, #tpu.memory_space<vmem>> -> memref<1x4096xf32, #tpu.memory_space<vmem>>
    %dma_start3A_146 = tpu.memref_squeeze %dma_start3A_145 : memref<1x4096xf32, #tpu.memory_space<vmem>> -> memref<4096xf32, #tpu.memory_space<vmem>>
    %dma_start3A_147 = tpu.memref_slice %arg5[%add3A, %add3A_109] : memref<8x65536xf32, #tpu.memory_space<hbm>> -> memref<1x4096xf32, #tpu.memory_space<hbm>>
    %dma_start3A_148 = tpu.memref_squeeze %dma_start3A_147 : memref<1x4096xf32, #tpu.memory_space<hbm>> -> memref<4096xf32, #tpu.memory_space<hbm>>
    %dma_start3A_149 = arith.constant 0 : i32
    %dma_start3A_150 = tpu.memref_slice %arg10[%dma_start3A_143, %dma_start3A_149] : memref<4x4096xf32, #tpu.memory_space<vmem>> -> memref<1x4096xf32, #tpu.memory_space<vmem>>
    %dma_start3A_151 = tpu.memref_squeeze %dma_start3A_150 : memref<1x4096xf32, #tpu.memory_space<vmem>> -> memref<4096xf32, #tpu.memory_space<vmem>>
    %dma_start3A_152 = tpu.memref_slice %arg5[%add3A, %add3A_109] : memref<8x65536xf32, #tpu.memory_space<hbm>> -> memref<1x4096xf32, #tpu.memory_space<hbm>>
    %dma_start3A_153 = tpu.memref_squeeze %dma_start3A_152 : memref<1x4096xf32, #tpu.memory_space<hbm>> -> memref<4096xf32, #tpu.memory_space<hbm>>
    tpu.enqueue_dma source(%dma_start3A_153 : memref<4096xf32, #tpu.memory_space<hbm>>) target(%dma_start3A_151 : memref<4096xf32, #tpu.memory_space<vmem>>) target_semaphore(%arg16 : memref<!tpu.dma_semaphore, #tpu.memory_space<semaphore_mem>>)
    %add3A_154 = arith.constant 8192 : i32
    %add3A_155 = arith.addi %mul3A_58, %add3A_154 : i32
    %dma_start3A_156 = arith.constant 2 : i32
    %dma_start3A_157 = arith.constant 0 : i32
    %dma_start3A_158 = tpu.memref_slice %arg7[%dma_start3A_156, %dma_start3A_157] : memref<4x4096xf32, #tpu.memory_space<vmem>> -> memref<1x4096xf32, #tpu.memory_space<vmem>>
    %dma_start3A_159 = tpu.memref_squeeze %dma_start3A_158 : memref<1x4096xf32, #tpu.memory_space<vmem>> -> memref<4096xf32, #tpu.memory_space<vmem>>
    %dma_start3A_160 = tpu.memref_slice %arg2[%add3A, %add3A_155] : memref<8x65536xf32, #tpu.memory_space<hbm>> -> memref<1x4096xf32, #tpu.memory_space<hbm>>
    %dma_start3A_161 = tpu.memref_squeeze %dma_start3A_160 : memref<1x4096xf32, #tpu.memory_space<hbm>> -> memref<4096xf32, #tpu.memory_space<hbm>>
    %dma_start3A_162 = arith.constant 0 : i32
    %dma_start3A_163 = tpu.memref_slice %arg7[%dma_start3A_156, %dma_start3A_162] : memref<4x4096xf32, #tpu.memory_space<vmem>> -> memref<1x4096xf32, #tpu.memory_space<vmem>>
    %dma_start3A_164 = tpu.memref_squeeze %dma_start3A_163 : memref<1x4096xf32, #tpu.memory_space<vmem>> -> memref<4096xf32, #tpu.memory_space<vmem>>
    %dma_start3A_165 = tpu.memref_slice %arg2[%add3A, %add3A_155] : memref<8x65536xf32, #tpu.memory_space<hbm>> -> memref<1x4096xf32, #tpu.memory_space<hbm>>
    %dma_start3A_166 = tpu.memref_squeeze %dma_start3A_165 : memref<1x4096xf32, #tpu.memory_space<hbm>> -> memref<4096xf32, #tpu.memory_space<hbm>>
    tpu.enqueue_dma source(%dma_start3A_166 : memref<4096xf32, #tpu.memory_space<hbm>>) target(%dma_start3A_164 : memref<4096xf32, #tpu.memory_space<vmem>>) target_semaphore(%arg17 : memref<!tpu.dma_semaphore, #tpu.memory_space<semaphore_mem>>)
    %dma_start3A_167 = arith.constant 2 : i32
    %dma_start3A_168 = arith.constant 0 : i32
    %dma_start3A_169 = tpu.memref_slice %arg8[%dma_start3A_167, %dma_start3A_168] : memref<4x4096xf32, #tpu.memory_space<vmem>> -> memref<1x4096xf32, #tpu.memory_space<vmem>>
    %dma_start3A_170 = tpu.memref_squeeze %dma_start3A_169 : memref<1x4096xf32, #tpu.memory_space<vmem>> -> memref<4096xf32, #tpu.memory_space<vmem>>
    %dma_start3A_171 = tpu.memref_slice %arg3[%add3A, %add3A_155] : memref<8x65536xf32, #tpu.memory_space<hbm>> -> memref<1x4096xf32, #tpu.memory_space<hbm>>
    %dma_start3A_172 = tpu.memref_squeeze %dma_start3A_171 : memref<1x4096xf32, #tpu.memory_space<hbm>> -> memref<4096xf32, #tpu.memory_space<hbm>>
    %dma_start3A_173 = arith.constant 0 : i32
    %dma_start3A_174 = tpu.memref_slice %arg8[%dma_start3A_167, %dma_start3A_173] : memref<4x4096xf32, #tpu.memory_space<vmem>> -> memref<1x4096xf32, #tpu.memory_space<vmem>>
    %dma_start3A_175 = tpu.memref_squeeze %dma_start3A_174 : memref<1x4096xf32, #tpu.memory_space<vmem>> -> memref<4096xf32, #tpu.memory_space<vmem>>
    %dma_start3A_176 = tpu.memref_slice %arg3[%add3A, %add3A_155] : memref<8x65536xf32, #tpu.memory_space<hbm>> -> memref<1x4096xf32, #tpu.memory_space<hbm>>
    %dma_start3A_177 = tpu.memref_squeeze %dma_start3A_176 : memref<1x4096xf32, #tpu.memory_space<hbm>> -> memref<4096xf32, #tpu.memory_space<hbm>>
    tpu.enqueue_dma source(%dma_start3A_177 : memref<4096xf32, #tpu.memory_space<hbm>>) target(%dma_start3A_175 : memref<4096xf32, #tpu.memory_space<vmem>>) target_semaphore(%arg17 : memref<!tpu.dma_semaphore, #tpu.memory_space<semaphore_mem>>)
    %dma_start3A_178 = arith.constant 2 : i32
    %dma_start3A_179 = arith.constant 0 : i32
    %dma_start3A_180 = tpu.memref_slice %arg9[%dma_start3A_178, %dma_start3A_179] : memref<4x4096xf32, #tpu.memory_space<vmem>> -> memref<1x4096xf32, #tpu.memory_space<vmem>>
    %dma_start3A_181 = tpu.memref_squeeze %dma_start3A_180 : memref<1x4096xf32, #tpu.memory_space<vmem>> -> memref<4096xf32, #tpu.memory_space<vmem>>
    %dma_start3A_182 = tpu.memref_slice %arg4[%add3A, %add3A_155] : memref<8x65536xf32, #tpu.memory_space<hbm>> -> memref<1x4096xf32, #tpu.memory_space<hbm>>
    %dma_start3A_183 = tpu.memref_squeeze %dma_start3A_182 : memref<1x4096xf32, #tpu.memory_space<hbm>> -> memref<4096xf32, #tpu.memory_space<hbm>>
    %dma_start3A_184 = arith.constant 0 : i32
    %dma_start3A_185 = tpu.memref_slice %arg9[%dma_start3A_178, %dma_start3A_184] : memref<4x4096xf32, #tpu.memory_space<vmem>> -> memref<1x4096xf32, #tpu.memory_space<vmem>>
    %dma_start3A_186 = tpu.memref_squeeze %dma_start3A_185 : memref<1x4096xf32, #tpu.memory_space<vmem>> -> memref<4096xf32, #tpu.memory_space<vmem>>
    %dma_start3A_187 = tpu.memref_slice %arg4[%add3A, %add3A_155] : memref<8x65536xf32, #tpu.memory_space<hbm>> -> memref<1x4096xf32, #tpu.memory_space<hbm>>
    %dma_start3A_188 = tpu.memref_squeeze %dma_start3A_187 : memref<1x4096xf32, #tpu.memory_space<hbm>> -> memref<4096xf32, #tpu.memory_space<hbm>>
    tpu.enqueue_dma source(%dma_start3A_188 : memref<4096xf32, #tpu.memory_space<hbm>>) target(%dma_start3A_186 : memref<4096xf32, #tpu.memory_space<vmem>>) target_semaphore(%arg17 : memref<!tpu.dma_semaphore, #tpu.memory_space<semaphore_mem>>)
    %dma_start3A_189 = arith.constant 2 : i32
    %dma_start3A_190 = arith.constant 0 : i32
    %dma_start3A_191 = tpu.memref_slice %arg10[%dma_start3A_189, %dma_start3A_190] : memref<4x4096xf32, #tpu.memory_space<vmem>> -> memref<1x4096xf32, #tpu.memory_space<vmem>>
    %dma_start3A_192 = tpu.memref_squeeze %dma_start3A_191 : memref<1x4096xf32, #tpu.memory_space<vmem>> -> memref<4096xf32, #tpu.memory_space<vmem>>
    %dma_start3A_193 = tpu.memref_slice %arg5[%add3A, %add3A_155] : memref<8x65536xf32, #tpu.memory_space<hbm>> -> memref<1x4096xf32, #tpu.memory_space<hbm>>
    %dma_start3A_194 = tpu.memref_squeeze %dma_start3A_193 : memref<1x4096xf32, #tpu.memory_space<hbm>> -> memref<4096xf32, #tpu.memory_space<hbm>>
    %dma_start3A_195 = arith.constant 0 : i32
    %dma_start3A_196 = tpu.memref_slice %arg10[%dma_start3A_189, %dma_start3A_195] : memref<4x4096xf32, #tpu.memory_space<vmem>> -> memref<1x4096xf32, #tpu.memory_space<vmem>>
    %dma_start3A_197 = tpu.memref_squeeze %dma_start3A_196 : memref<1x4096xf32, #tpu.memory_space<vmem>> -> memref<4096xf32, #tpu.memory_space<vmem>>
    %dma_start3A_198 = tpu.memref_slice %arg5[%add3A, %add3A_155] : memref<8x65536xf32, #tpu.memory_space<hbm>> -> memref<1x4096xf32, #tpu.memory_space<hbm>>
    %dma_start3A_199 = tpu.memref_squeeze %dma_start3A_198 : memref<1x4096xf32, #tpu.memory_space<hbm>> -> memref<4096xf32, #tpu.memory_space<hbm>>
    tpu.enqueue_dma source(%dma_start3A_199 : memref<4096xf32, #tpu.memory_space<hbm>>) target(%dma_start3A_197 : memref<4096xf32, #tpu.memory_space<vmem>>) target_semaphore(%arg17 : memref<!tpu.dma_semaphore, #tpu.memory_space<semaphore_mem>>)
    %add3A_200 = arith.constant 12288 : i32
    %add3A_201 = arith.addi %mul3A_58, %add3A_200 : i32
    %dma_start3A_202 = arith.constant 3 : i32
    %dma_start3A_203 = arith.constant 0 : i32
    %dma_start3A_204 = tpu.memref_slice %arg7[%dma_start3A_202, %dma_start3A_203] : memref<4x4096xf32, #tpu.memory_space<vmem>> -> memref<1x4096xf32, #tpu.memory_space<vmem>>
    %dma_start3A_205 = tpu.memref_squeeze %dma_start3A_204 : memref<1x4096xf32, #tpu.memory_space<vmem>> -> memref<4096xf32, #tpu.memory_space<vmem>>
    %dma_start3A_206 = tpu.memref_slice %arg2[%add3A, %add3A_201] : memref<8x65536xf32, #tpu.memory_space<hbm>> -> memref<1x4096xf32, #tpu.memory_space<hbm>>
    %dma_start3A_207 = tpu.memref_squeeze %dma_start3A_206 : memref<1x4096xf32, #tpu.memory_space<hbm>> -> memref<4096xf32, #tpu.memory_space<hbm>>
    %dma_start3A_208 = arith.constant 0 : i32
    %dma_start3A_209 = tpu.memref_slice %arg7[%dma_start3A_202, %dma_start3A_208] : memref<4x4096xf32, #tpu.memory_space<vmem>> -> memref<1x4096xf32, #tpu.memory_space<vmem>>
    %dma_start3A_210 = tpu.memref_squeeze %dma_start3A_209 : memref<1x4096xf32, #tpu.memory_space<vmem>> -> memref<4096xf32, #tpu.memory_space<vmem>>
    %dma_start3A_211 = tpu.memref_slice %arg2[%add3A, %add3A_201] : memref<8x65536xf32, #tpu.memory_space<hbm>> -> memref<1x4096xf32, #tpu.memory_space<hbm>>
    %dma_start3A_212 = tpu.memref_squeeze %dma_start3A_211 : memref<1x4096xf32, #tpu.memory_space<hbm>> -> memref<4096xf32, #tpu.memory_space<hbm>>
    tpu.enqueue_dma source(%dma_start3A_212 : memref<4096xf32, #tpu.memory_space<hbm>>) target(%dma_start3A_210 : memref<4096xf32, #tpu.memory_space<vmem>>) target_semaphore(%arg18 : memref<!tpu.dma_semaphore, #tpu.memory_space<semaphore_mem>>)
    %dma_start3A_213 = arith.constant 3 : i32
    %dma_start3A_214 = arith.constant 0 : i32
    %dma_start3A_215 = tpu.memref_slice %arg8[%dma_start3A_213, %dma_start3A_214] : memref<4x4096xf32, #tpu.memory_space<vmem>> -> memref<1x4096xf32, #tpu.memory_space<vmem>>
    %dma_start3A_216 = tpu.memref_squeeze %dma_start3A_215 : memref<1x4096xf32, #tpu.memory_space<vmem>> -> memref<4096xf32, #tpu.memory_space<vmem>>
    %dma_start3A_217 = tpu.memref_slice %arg3[%add3A, %add3A_201] : memref<8x65536xf32, #tpu.memory_space<hbm>> -> memref<1x4096xf32, #tpu.memory_space<hbm>>
    %dma_start3A_218 = tpu.memref_squeeze %dma_start3A_217 : memref<1x4096xf32, #tpu.memory_space<hbm>> -> memref<4096xf32, #tpu.memory_space<hbm>>
    %dma_start3A_219 = arith.constant 0 : i32
    %dma_start3A_220 = tpu.memref_slice %arg8[%dma_start3A_213, %dma_start3A_219] : memref<4x4096xf32, #tpu.memory_space<vmem>> -> memref<1x4096xf32, #tpu.memory_space<vmem>>
    %dma_start3A_221 = tpu.memref_squeeze %dma_start3A_220 : memref<1x4096xf32, #tpu.memory_space<vmem>> -> memref<4096xf32, #tpu.memory_space<vmem>>
    %dma_start3A_222 = tpu.memref_slice %arg3[%add3A, %add3A_201] : memref<8x65536xf32, #tpu.memory_space<hbm>> -> memref<1x4096xf32, #tpu.memory_space<hbm>>
    %dma_start3A_223 = tpu.memref_squeeze %dma_start3A_222 : memref<1x4096xf32, #tpu.memory_space<hbm>> -> memref<4096xf32, #tpu.memory_space<hbm>>
    tpu.enqueue_dma source(%dma_start3A_223 : memref<4096xf32, #tpu.memory_space<hbm>>) target(%dma_start3A_221 : memref<4096xf32, #tpu.memory_space<vmem>>) target_semaphore(%arg18 : memref<!tpu.dma_semaphore, #tpu.memory_space<semaphore_mem>>)
    %dma_start3A_224 = arith.constant 3 : i32
    %dma_start3A_225 = arith.constant 0 : i32
    %dma_start3A_226 = tpu.memref_slice %arg9[%dma_start3A_224, %dma_start3A_225] : memref<4x4096xf32, #tpu.memory_space<vmem>> -> memref<1x4096xf32, #tpu.memory_space<vmem>>
    %dma_start3A_227 = tpu.memref_squeeze %dma_start3A_226 : memref<1x4096xf32, #tpu.memory_space<vmem>> -> memref<4096xf32, #tpu.memory_space<vmem>>
    %dma_start3A_228 = tpu.memref_slice %arg4[%add3A, %add3A_201] : memref<8x65536xf32, #tpu.memory_space<hbm>> -> memref<1x4096xf32, #tpu.memory_space<hbm>>
    %dma_start3A_229 = tpu.memref_squeeze %dma_start3A_228 : memref<1x4096xf32, #tpu.memory_space<hbm>> -> memref<4096xf32, #tpu.memory_space<hbm>>
    %dma_start3A_230 = arith.constant 0 : i32
    %dma_start3A_231 = tpu.memref_slice %arg9[%dma_start3A_224, %dma_start3A_230] : memref<4x4096xf32, #tpu.memory_space<vmem>> -> memref<1x4096xf32, #tpu.memory_space<vmem>>
    %dma_start3A_232 = tpu.memref_squeeze %dma_start3A_231 : memref<1x4096xf32, #tpu.memory_space<vmem>> -> memref<4096xf32, #tpu.memory_space<vmem>>
    %dma_start3A_233 = tpu.memref_slice %arg4[%add3A, %add3A_201] : memref<8x65536xf32, #tpu.memory_space<hbm>> -> memref<1x4096xf32, #tpu.memory_space<hbm>>
    %dma_start3A_234 = tpu.memref_squeeze %dma_start3A_233 : memref<1x4096xf32, #tpu.memory_space<hbm>> -> memref<4096xf32, #tpu.memory_space<hbm>>
    tpu.enqueue_dma source(%dma_start3A_234 : memref<4096xf32, #tpu.memory_space<hbm>>) target(%dma_start3A_232 : memref<4096xf32, #tpu.memory_space<vmem>>) target_semaphore(%arg18 : memref<!tpu.dma_semaphore, #tpu.memory_space<semaphore_mem>>)
    %dma_start3A_235 = arith.constant 3 : i32
    %dma_start3A_236 = arith.constant 0 : i32
    %dma_start3A_237 = tpu.memref_slice %arg10[%dma_start3A_235, %dma_start3A_236] : memref<4x4096xf32, #tpu.memory_space<vmem>> -> memref<1x4096xf32, #tpu.memory_space<vmem>>
    %dma_start3A_238 = tpu.memref_squeeze %dma_start3A_237 : memref<1x4096xf32, #tpu.memory_space<vmem>> -> memref<4096xf32, #tpu.memory_space<vmem>>
    %dma_start3A_239 = tpu.memref_slice %arg5[%add3A, %add3A_201] : memref<8x65536xf32, #tpu.memory_space<hbm>> -> memref<1x4096xf32, #tpu.memory_space<hbm>>
    %dma_start3A_240 = tpu.memref_squeeze %dma_start3A_239 : memref<1x4096xf32, #tpu.memory_space<hbm>> -> memref<4096xf32, #tpu.memory_space<hbm>>
    %dma_start3A_241 = arith.constant 0 : i32
    %dma_start3A_242 = tpu.memref_slice %arg10[%dma_start3A_235, %dma_start3A_241] : memref<4x4096xf32, #tpu.memory_space<vmem>> -> memref<1x4096xf32, #tpu.memory_space<vmem>>
    %dma_start3A_243 = tpu.memref_squeeze %dma_start3A_242 : memref<1x4096xf32, #tpu.memory_space<vmem>> -> memref<4096xf32, #tpu.memory_space<vmem>>
    %dma_start3A_244 = tpu.memref_slice %arg5[%add3A, %add3A_201] : memref<8x65536xf32, #tpu.memory_space<hbm>> -> memref<1x4096xf32, #tpu.memory_space<hbm>>
    %dma_start3A_245 = tpu.memref_squeeze %dma_start3A_244 : memref<1x4096xf32, #tpu.memory_space<hbm>> -> memref<4096xf32, #tpu.memory_space<hbm>>
    tpu.enqueue_dma source(%dma_start3A_245 : memref<4096xf32, #tpu.memory_space<hbm>>) target(%dma_start3A_243 : memref<4096xf32, #tpu.memory_space<vmem>>) target_semaphore(%arg18 : memref<!tpu.dma_semaphore, #tpu.memory_space<semaphore_mem>>)
    %broadcast_in_dim3A = arith.constant 0.000000e+00 : f32
    %broadcast_in_dim3A_246 = vector.broadcast %broadcast_in_dim3A : f32 to vector<16xf32>
    %scan3A = arith.constant 0 : i32
    %scan3A_247 = arith.constant 256 : i32
    %scan3A_248 = arith.addi %scan3A, %scan3A_247 : i32
    %scan3A_249 = arith.constant 1 : i32
    scf.for %scan3A_478 = %scan3A to %scan3A_248 step %scan3A_249  : i32 {
      %mul3A_479 = arith.constant 16 : i32
      %mul3A_480 = arith.muli %scan3A_478, %mul3A_479 : i32
      %add3A_481 = arith.constant 0 : i32
      %add3A_482 = arith.addi %add3A_481, %mul3A_480 : i32
      %swap3A = arith.index_cast %add3A_482 : i32 to index
      %swap3A_483 = tpu.vector_load %arg13[%swap3A] {strides = array<i32>} : memref<4096xf32, #tpu.memory_space<vmem>>, vector<16xf32>,
      tpu.vector_store %arg13[%swap3A], %broadcast_in_dim3A_246 {strides = array<i32>} : memref<4096xf32, #tpu.memory_space<vmem>>, vector<16xf32>,
    }
    %scan3A_250 = arith.constant 256 : i32
    %mul3A_251 = arith.constant 16384 : i32
    %mul3A_252 = arith.muli %arg1, %mul3A_251 : i32
    %add3A_253 = arith.constant 0 : i32
    %add3A_254 = arith.addi %mul3A_252, %add3A_253 : i32
    "tpu.region"() ({
      %run_scoped3A = tpu.sem_alloc : memref<!tpu.dma_semaphore, #tpu.memory_space<semaphore_mem>>
      %dma_start3A_478 = tpu.memref_slice %arg14[%add3A_254] : memref<262272xf32, #tpu.memory_space<vmem_shared>> -> memref<4096xf32, #tpu.memory_space<vmem_shared>>
      %dma_start3A_479 = tpu.memref_slice %arg14[%add3A_254] : memref<262272xf32, #tpu.memory_space<vmem_shared>> -> memref<4096xf32, #tpu.memory_space<vmem_shared>>
      tpu.enqueue_dma source(%arg13 : memref<4096xf32, #tpu.memory_space<vmem>>) target(%dma_start3A_479 : memref<4096xf32, #tpu.memory_space<vmem_shared>>) target_semaphore(%run_scoped3A : memref<!tpu.dma_semaphore, #tpu.memory_space<semaphore_mem>>)
      %dma_wait3A_480 = tpu.memref_slice %arg14[%add3A_254] : memref<262272xf32, #tpu.memory_space<vmem_shared>> -> memref<4096xf32, #tpu.memory_space<vmem_shared>>
      %dma_wait3A_481 = tpu.memref_slice %arg14[%add3A_254] : memref<262272xf32, #tpu.memory_space<vmem_shared>> -> memref<4096xf32, #tpu.memory_space<vmem_shared>>
      tpu.wait_dma2 semaphore(%run_scoped3A : memref<!tpu.dma_semaphore, #tpu.memory_space<semaphore_mem>>) src(%arg13 : memref<4096xf32, #tpu.memory_space<vmem>>) dst(%dma_wait3A_481 : memref<4096xf32, #tpu.memory_space<vmem_shared>>)
      tpu.yield
    }) : () -> ()
    %mul3A_255 = arith.constant 16384 : i32
    %mul3A_256 = arith.muli %arg1, %mul3A_255 : i32
    %add3A_257 = arith.constant 4096 : i32
    %add3A_258 = arith.addi %mul3A_256, %add3A_257 : i32
    "tpu.region"() ({
      %run_scoped3A = tpu.sem_alloc : memref<!tpu.dma_semaphore, #tpu.memory_space<semaphore_mem>>
      %dma_start3A_478 = tpu.memref_slice %arg14[%add3A_258] : memref<262272xf32, #tpu.memory_space<vmem_shared>> -> memref<4096xf32, #tpu.memory_space<vmem_shared>>
      %dma_start3A_479 = tpu.memref_slice %arg14[%add3A_258] : memref<262272xf32, #tpu.memory_space<vmem_shared>> -> memref<4096xf32, #tpu.memory_space<vmem_shared>>
      tpu.enqueue_dma source(%arg13 : memref<4096xf32, #tpu.memory_space<vmem>>) target(%dma_start3A_479 : memref<4096xf32, #tpu.memory_space<vmem_shared>>) target_semaphore(%run_scoped3A : memref<!tpu.dma_semaphore, #tpu.memory_space<semaphore_mem>>)
      %dma_wait3A_480 = tpu.memref_slice %arg14[%add3A_258] : memref<262272xf32, #tpu.memory_space<vmem_shared>> -> memref<4096xf32, #tpu.memory_space<vmem_shared>>
      %dma_wait3A_481 = tpu.memref_slice %arg14[%add3A_258] : memref<262272xf32, #tpu.memory_space<vmem_shared>> -> memref<4096xf32, #tpu.memory_space<vmem_shared>>
      tpu.wait_dma2 semaphore(%run_scoped3A : memref<!tpu.dma_semaphore, #tpu.memory_space<semaphore_mem>>) src(%arg13 : memref<4096xf32, #tpu.memory_space<vmem>>) dst(%dma_wait3A_481 : memref<4096xf32, #tpu.memory_space<vmem_shared>>)
      tpu.yield
    }) : () -> ()
    %mul3A_259 = arith.constant 16384 : i32
    %mul3A_260 = arith.muli %arg1, %mul3A_259 : i32
    %add3A_261 = arith.constant 8192 : i32
    %add3A_262 = arith.addi %mul3A_260, %add3A_261 : i32
    "tpu.region"() ({
      %run_scoped3A = tpu.sem_alloc : memref<!tpu.dma_semaphore, #tpu.memory_space<semaphore_mem>>
      %dma_start3A_478 = tpu.memref_slice %arg14[%add3A_262] : memref<262272xf32, #tpu.memory_space<vmem_shared>> -> memref<4096xf32, #tpu.memory_space<vmem_shared>>
      %dma_start3A_479 = tpu.memref_slice %arg14[%add3A_262] : memref<262272xf32, #tpu.memory_space<vmem_shared>> -> memref<4096xf32, #tpu.memory_space<vmem_shared>>
      tpu.enqueue_dma source(%arg13 : memref<4096xf32, #tpu.memory_space<vmem>>) target(%dma_start3A_479 : memref<4096xf32, #tpu.memory_space<vmem_shared>>) target_semaphore(%run_scoped3A : memref<!tpu.dma_semaphore, #tpu.memory_space<semaphore_mem>>)
      %dma_wait3A_480 = tpu.memref_slice %arg14[%add3A_262] : memref<262272xf32, #tpu.memory_space<vmem_shared>> -> memref<4096xf32, #tpu.memory_space<vmem_shared>>
      %dma_wait3A_481 = tpu.memref_slice %arg14[%add3A_262] : memref<262272xf32, #tpu.memory_space<vmem_shared>> -> memref<4096xf32, #tpu.memory_space<vmem_shared>>
      tpu.wait_dma2 semaphore(%run_scoped3A : memref<!tpu.dma_semaphore, #tpu.memory_space<semaphore_mem>>) src(%arg13 : memref<4096xf32, #tpu.memory_space<vmem>>) dst(%dma_wait3A_481 : memref<4096xf32, #tpu.memory_space<vmem_shared>>)
      tpu.yield
    }) : () -> ()
    %mul3A_263 = arith.constant 16384 : i32
    %mul3A_264 = arith.muli %arg1, %mul3A_263 : i32
    %add3A_265 = arith.constant 12288 : i32
    %add3A_266 = arith.addi %mul3A_264, %add3A_265 : i32
    "tpu.region"() ({
      %run_scoped3A = tpu.sem_alloc : memref<!tpu.dma_semaphore, #tpu.memory_space<semaphore_mem>>
      %dma_start3A_478 = tpu.memref_slice %arg14[%add3A_266] : memref<262272xf32, #tpu.memory_space<vmem_shared>> -> memref<4096xf32, #tpu.memory_space<vmem_shared>>
      %dma_start3A_479 = tpu.memref_slice %arg14[%add3A_266] : memref<262272xf32, #tpu.memory_space<vmem_shared>> -> memref<4096xf32, #tpu.memory_space<vmem_shared>>
      tpu.enqueue_dma source(%arg13 : memref<4096xf32, #tpu.memory_space<vmem>>) target(%dma_start3A_479 : memref<4096xf32, #tpu.memory_space<vmem_shared>>) target_semaphore(%run_scoped3A : memref<!tpu.dma_semaphore, #tpu.memory_space<semaphore_mem>>)
      %dma_wait3A_480 = tpu.memref_slice %arg14[%add3A_266] : memref<262272xf32, #tpu.memory_space<vmem_shared>> -> memref<4096xf32, #tpu.memory_space<vmem_shared>>
      %dma_wait3A_481 = tpu.memref_slice %arg14[%add3A_266] : memref<262272xf32, #tpu.memory_space<vmem_shared>> -> memref<4096xf32, #tpu.memory_space<vmem_shared>>
      tpu.wait_dma2 semaphore(%run_scoped3A : memref<!tpu.dma_semaphore, #tpu.memory_space<semaphore_mem>>) src(%arg13 : memref<4096xf32, #tpu.memory_space<vmem>>) dst(%dma_wait3A_481 : memref<4096xf32, #tpu.memory_space<vmem_shared>>)
      tpu.yield
    }) : () -> ()
    %eq3A_267 = arith.constant 0 : i32
    %eq3A_268 = arith.cmpi eq, %arg1, %eq3A_267 : i32
    %convert_element_type3A = arith.extui %eq3A_268 : i1 to i32
    %cond3A = arith.constant 0 : i32
    %cond3A_269 = arith.cmpi ne, %convert_element_type3A, %cond3A : i32
    scf.if %cond3A_269 {
      "tpu.region"() ({
        %run_scoped3A = tpu.sem_alloc : memref<!tpu.dma_semaphore, #tpu.memory_space<semaphore_mem>>
        %dma_start3A_478 = arith.constant 0 : i32
        %dma_start3A_479 = tpu.memref_slice %arg13[%dma_start3A_478] : memref<4096xf32, #tpu.memory_space<vmem>> -> memref<128xf32, #tpu.memory_space<vmem>>
        %dma_start3A_480 = arith.constant 262144 : i32
        %dma_start3A_481 = tpu.memref_slice %arg14[%dma_start3A_480] : memref<262272xf32, #tpu.memory_space<vmem_shared>> -> memref<128xf32, #tpu.memory_space<vmem_shared>>
        %dma_start3A_482 = arith.constant 262144 : i32
        %dma_start3A_483 = tpu.memref_slice %arg14[%dma_start3A_482] : memref<262272xf32, #tpu.memory_space<vmem_shared>> -> memref<128xf32, #tpu.memory_space<vmem_shared>>
        %dma_start3A_484 = arith.constant 0 : i32
        %dma_start3A_485 = tpu.memref_slice %arg13[%dma_start3A_484] : memref<4096xf32, #tpu.memory_space<vmem>> -> memref<128xf32, #tpu.memory_space<vmem>>
        tpu.enqueue_dma source(%dma_start3A_485 : memref<128xf32, #tpu.memory_space<vmem>>) target(%dma_start3A_483 : memref<128xf32, #tpu.memory_space<vmem_shared>>) target_semaphore(%run_scoped3A : memref<!tpu.dma_semaphore, #tpu.memory_space<semaphore_mem>>)
        %dma_wait3A_486 = arith.constant 0 : i32
        %dma_wait3A_487 = tpu.memref_slice %arg13[%dma_wait3A_486] : memref<4096xf32, #tpu.memory_space<vmem>> -> memref<128xf32, #tpu.memory_space<vmem>>
        %dma_wait3A_488 = arith.constant 262144 : i32
        %dma_wait3A_489 = tpu.memref_slice %arg14[%dma_wait3A_488] : memref<262272xf32, #tpu.memory_space<vmem_shared>> -> memref<128xf32, #tpu.memory_space<vmem_shared>>
        %dma_wait3A_490 = arith.constant 262144 : i32
        %dma_wait3A_491 = tpu.memref_slice %arg14[%dma_wait3A_490] : memref<262272xf32, #tpu.memory_space<vmem_shared>> -> memref<128xf32, #tpu.memory_space<vmem_shared>>
        %dma_wait3A_492 = arith.constant 0 : i32
        %dma_wait3A_493 = tpu.memref_slice %arg13[%dma_wait3A_492] : memref<4096xf32, #tpu.memory_space<vmem>> -> memref<128xf32, #tpu.memory_space<vmem>>
        tpu.wait_dma2 semaphore(%run_scoped3A : memref<!tpu.dma_semaphore, #tpu.memory_space<semaphore_mem>>) src(%dma_wait3A_493 : memref<128xf32, #tpu.memory_space<vmem>>) dst(%dma_wait3A_491 : memref<128xf32, #tpu.memory_space<vmem_shared>>)
        tpu.yield
      }) : () -> ()
    } else {
    }
    %barrier3A = arith.constant 0 : index
    tpu.barrier barrier_id(%barrier3A)
    %dma_wait3A = arith.constant 0 : i32
    %dma_wait3A_270 = arith.constant 0 : i32
    %dma_wait3A_271 = tpu.memref_slice %arg7[%dma_wait3A, %dma_wait3A_270] : memref<4x4096xf32, #tpu.memory_space<vmem>> -> memref<1x4096xf32, #tpu.memory_space<vmem>>
    %dma_wait3A_272 = tpu.memref_squeeze %dma_wait3A_271 : memref<1x4096xf32, #tpu.memory_space<vmem>> -> memref<4096xf32, #tpu.memory_space<vmem>>
    %dma_wait3A_273 = tpu.memref_slice %arg2[%add3A, %add3A_64] : memref<8x65536xf32, #tpu.memory_space<hbm>> -> memref<1x4096xf32, #tpu.memory_space<hbm>>
    %dma_wait3A_274 = tpu.memref_squeeze %dma_wait3A_273 : memref<1x4096xf32, #tpu.memory_space<hbm>> -> memref<4096xf32, #tpu.memory_space<hbm>>
    %dma_wait3A_275 = arith.constant 0 : i32
    %dma_wait3A_276 = tpu.memref_slice %arg7[%dma_wait3A, %dma_wait3A_275] : memref<4x4096xf32, #tpu.memory_space<vmem>> -> memref<1x4096xf32, #tpu.memory_space<vmem>>
    %dma_wait3A_277 = tpu.memref_squeeze %dma_wait3A_276 : memref<1x4096xf32, #tpu.memory_space<vmem>> -> memref<4096xf32, #tpu.memory_space<vmem>>
    %dma_wait3A_278 = tpu.memref_slice %arg2[%add3A, %add3A_64] : memref<8x65536xf32, #tpu.memory_space<hbm>> -> memref<1x4096xf32, #tpu.memory_space<hbm>>
    %dma_wait3A_279 = tpu.memref_squeeze %dma_wait3A_278 : memref<1x4096xf32, #tpu.memory_space<hbm>> -> memref<4096xf32, #tpu.memory_space<hbm>>
    tpu.wait_dma2 semaphore(%arg15 : memref<!tpu.dma_semaphore, #tpu.memory_space<semaphore_mem>>) src(%dma_wait3A_279 : memref<4096xf32, #tpu.memory_space<hbm>>) dst(%dma_wait3A_277 : memref<4096xf32, #tpu.memory_space<vmem>>)
    %dma_wait3A_280 = arith.constant 0 : i32
    %dma_wait3A_281 = arith.constant 0 : i32
    %dma_wait3A_282 = tpu.memref_slice %arg8[%dma_wait3A_280, %dma_wait3A_281] : memref<4x4096xf32, #tpu.memory_space<vmem>> -> memref<1x4096xf32, #tpu.memory_space<vmem>>
    %dma_wait3A_283 = tpu.memref_squeeze %dma_wait3A_282 : memref<1x4096xf32, #tpu.memory_space<vmem>> -> memref<4096xf32, #tpu.memory_space<vmem>>
    %dma_wait3A_284 = tpu.memref_slice %arg3[%add3A, %add3A_64] : memref<8x65536xf32, #tpu.memory_space<hbm>> -> memref<1x4096xf32, #tpu.memory_space<hbm>>
    %dma_wait3A_285 = tpu.memref_squeeze %dma_wait3A_284 : memref<1x4096xf32, #tpu.memory_space<hbm>> -> memref<4096xf32, #tpu.memory_space<hbm>>
    %dma_wait3A_286 = arith.constant 0 : i32
    %dma_wait3A_287 = tpu.memref_slice %arg8[%dma_wait3A_280, %dma_wait3A_286] : memref<4x4096xf32, #tpu.memory_space<vmem>> -> memref<1x4096xf32, #tpu.memory_space<vmem>>
    %dma_wait3A_288 = tpu.memref_squeeze %dma_wait3A_287 : memref<1x4096xf32, #tpu.memory_space<vmem>> -> memref<4096xf32, #tpu.memory_space<vmem>>
    %dma_wait3A_289 = tpu.memref_slice %arg3[%add3A, %add3A_64] : memref<8x65536xf32, #tpu.memory_space<hbm>> -> memref<1x4096xf32, #tpu.memory_space<hbm>>
    %dma_wait3A_290 = tpu.memref_squeeze %dma_wait3A_289 : memref<1x4096xf32, #tpu.memory_space<hbm>> -> memref<4096xf32, #tpu.memory_space<hbm>>
    tpu.wait_dma2 semaphore(%arg15 : memref<!tpu.dma_semaphore, #tpu.memory_space<semaphore_mem>>) src(%dma_wait3A_290 : memref<4096xf32, #tpu.memory_space<hbm>>) dst(%dma_wait3A_288 : memref<4096xf32, #tpu.memory_space<vmem>>)
    %dma_wait3A_291 = arith.constant 0 : i32
    %dma_wait3A_292 = arith.constant 0 : i32
    %dma_wait3A_293 = tpu.memref_slice %arg9[%dma_wait3A_291, %dma_wait3A_292] : memref<4x4096xf32, #tpu.memory_space<vmem>> -> memref<1x4096xf32, #tpu.memory_space<vmem>>
    %dma_wait3A_294 = tpu.memref_squeeze %dma_wait3A_293 : memref<1x4096xf32, #tpu.memory_space<vmem>> -> memref<4096xf32, #tpu.memory_space<vmem>>
    %dma_wait3A_295 = tpu.memref_slice %arg4[%add3A, %add3A_64] : memref<8x65536xf32, #tpu.memory_space<hbm>> -> memref<1x4096xf32, #tpu.memory_space<hbm>>
    %dma_wait3A_296 = tpu.memref_squeeze %dma_wait3A_295 : memref<1x4096xf32, #tpu.memory_space<hbm>> -> memref<4096xf32, #tpu.memory_space<hbm>>
    %dma_wait3A_297 = arith.constant 0 : i32
    %dma_wait3A_298 = tpu.memref_slice %arg9[%dma_wait3A_291, %dma_wait3A_297] : memref<4x4096xf32, #tpu.memory_space<vmem>> -> memref<1x4096xf32, #tpu.memory_space<vmem>>
    %dma_wait3A_299 = tpu.memref_squeeze %dma_wait3A_298 : memref<1x4096xf32, #tpu.memory_space<vmem>> -> memref<4096xf32, #tpu.memory_space<vmem>>
    %dma_wait3A_300 = tpu.memref_slice %arg4[%add3A, %add3A_64] : memref<8x65536xf32, #tpu.memory_space<hbm>> -> memref<1x4096xf32, #tpu.memory_space<hbm>>
    %dma_wait3A_301 = tpu.memref_squeeze %dma_wait3A_300 : memref<1x4096xf32, #tpu.memory_space<hbm>> -> memref<4096xf32, #tpu.memory_space<hbm>>
    tpu.wait_dma2 semaphore(%arg15 : memref<!tpu.dma_semaphore, #tpu.memory_space<semaphore_mem>>) src(%dma_wait3A_301 : memref<4096xf32, #tpu.memory_space<hbm>>) dst(%dma_wait3A_299 : memref<4096xf32, #tpu.memory_space<vmem>>)
    %dma_wait3A_302 = arith.constant 0 : i32
    %dma_wait3A_303 = arith.constant 0 : i32
    %dma_wait3A_304 = tpu.memref_slice %arg10[%dma_wait3A_302, %dma_wait3A_303] : memref<4x4096xf32, #tpu.memory_space<vmem>> -> memref<1x4096xf32, #tpu.memory_space<vmem>>
    %dma_wait3A_305 = tpu.memref_squeeze %dma_wait3A_304 : memref<1x4096xf32, #tpu.memory_space<vmem>> -> memref<4096xf32, #tpu.memory_space<vmem>>
    %dma_wait3A_306 = tpu.memref_slice %arg5[%add3A, %add3A_64] : memref<8x65536xf32, #tpu.memory_space<hbm>> -> memref<1x4096xf32, #tpu.memory_space<hbm>>
    %dma_wait3A_307 = tpu.memref_squeeze %dma_wait3A_306 : memref<1x4096xf32, #tpu.memory_space<hbm>> -> memref<4096xf32, #tpu.memory_space<hbm>>
    %dma_wait3A_308 = arith.constant 0 : i32
    %dma_wait3A_309 = tpu.memref_slice %arg10[%dma_wait3A_302, %dma_wait3A_308] : memref<4x4096xf32, #tpu.memory_space<vmem>> -> memref<1x4096xf32, #tpu.memory_space<vmem>>
    %dma_wait3A_310 = tpu.memref_squeeze %dma_wait3A_309 : memref<1x4096xf32, #tpu.memory_space<vmem>> -> memref<4096xf32, #tpu.memory_space<vmem>>
    %dma_wait3A_311 = tpu.memref_slice %arg5[%add3A, %add3A_64] : memref<8x65536xf32, #tpu.memory_space<hbm>> -> memref<1x4096xf32, #tpu.memory_space<hbm>>
    %dma_wait3A_312 = tpu.memref_squeeze %dma_wait3A_311 : memref<1x4096xf32, #tpu.memory_space<hbm>> -> memref<4096xf32, #tpu.memory_space<hbm>>
    tpu.wait_dma2 semaphore(%arg15 : memref<!tpu.dma_semaphore, #tpu.memory_space<semaphore_mem>>) src(%dma_wait3A_312 : memref<4096xf32, #tpu.memory_space<hbm>>) dst(%dma_wait3A_310 : memref<4096xf32, #tpu.memory_space<vmem>>)
    %scan3A_313 = arith.constant 0 : i32
    %scan3A_314 = arith.constant 32 : i32
    %scan3A_315 = arith.addi %scan3A_313, %scan3A_314 : i32
    %scan3A_316 = arith.constant 1 : i32
    scf.for %scan3A_478 = %scan3A_313 to %scan3A_315 step %scan3A_316  : i32 {
      %mul3A_479 = arith.constant 1 : i32
      %mul3A_480 = arith.muli %scan3A_478, %mul3A_479 : i32
      %add3A_481 = arith.constant 0 : i32
      %add3A_482 = arith.addi %add3A_481, %mul3A_480 : i32
      %add3A_483 = arith.constant 0 : i32
      %add3A_484 = arith.addi %add3A_483, %add3A_482 : i32
      %scan3A_485 = arith.constant 0 : i32
      %scan3A_486 = arith.constant 8 : i32
      %scan3A_487 = arith.addi %scan3A_485, %scan3A_486 : i32
      %scan3A_488 = arith.constant 1 : i32
      scf.for %scan3A_498 = %scan3A_485 to %scan3A_487 step %scan3A_488  : i32 {
        %mul3A_499 = arith.constant 1 : i32
        %mul3A_500 = arith.muli %scan3A_498, %mul3A_499 : i32
        %add3A_501 = arith.constant 0 : i32
        %add3A_502 = arith.addi %add3A_501, %mul3A_500 : i32
        %mul3A_503 = arith.constant 8 : i32
        %mul3A_504 = arith.muli %add3A_482, %mul3A_503 : i32
        %add3A_505 = arith.addi %mul3A_504, %add3A_502 : i32
        %mul3A_506 = arith.constant 16 : i32
        %mul3A_507 = arith.muli %add3A_505, %mul3A_506 : i32
        %get3A = arith.constant 0 : i32
        %get3A_508 = arith.index_cast %get3A : i32 to index
        %get3A_509 = arith.index_cast %mul3A_507 : i32 to index
        %get3A_510 = tpu.vector_load %arg7[%get3A_508, %get3A_509] {strides = array<i32>} : memref<4x4096xf32, #tpu.memory_space<vmem>>, vector<16xf32>,
        %mul3A_511 = arith.constant 16 : i32
        %mul3A_512 = arith.muli %add3A_505, %mul3A_511 : i32
        %get3A_513 = arith.constant 0 : i32
        %get3A_514 = arith.index_cast %get3A_513 : i32 to index
        %get3A_515 = arith.index_cast %mul3A_512 : i32 to index
        %get3A_516 = tpu.vector_load %arg8[%get3A_514, %get3A_515] {strides = array<i32>} : memref<4x4096xf32, #tpu.memory_space<vmem>>, vector<16xf32>,
        %mul3A_517 = arith.constant 16 : i32
        %mul3A_518 = arith.muli %add3A_505, %mul3A_517 : i32
        %get3A_519 = arith.constant 0 : i32
        %get3A_520 = arith.index_cast %get3A_519 : i32 to index
        %get3A_521 = arith.index_cast %mul3A_518 : i32 to index
        %get3A_522 = tpu.vector_load %arg9[%get3A_520, %get3A_521] {strides = array<i32>} : memref<4x4096xf32, #tpu.memory_space<vmem>>, vector<16xf32>,
        %mul3A_523 = arith.constant 16 : i32
        %mul3A_524 = arith.muli %add3A_505, %mul3A_523 : i32
        %get3A_525 = arith.constant 0 : i32
        %get3A_526 = arith.index_cast %get3A_525 : i32 to index
        %get3A_527 = arith.index_cast %mul3A_524 : i32 to index
        %get3A_528 = tpu.vector_load %arg10[%get3A_526, %get3A_527] {strides = array<i32>} : memref<4x4096xf32, #tpu.memory_space<vmem>>, vector<16xf32>,
        %div3A_529 = arith.constant 1.000000e+00 : f32
        %div3A_530 = vector.broadcast %div3A_529 : f32 to vector<16xf32>
        %div3A_531 = arith.divf %div3A_530, %get3A_522 : vector<16xf32>
        %mul3A_532 = arith.mulf %get3A_510, %div3A_531 : vector<16xf32>
        %add3A_533 = arith.constant 5.000000e-01 : f32
        %add3A_534 = vector.broadcast %add3A_533 : f32 to vector<16xf32>
        %add3A_535 = arith.addf %mul3A_532, %add3A_534 : vector<16xf32>
        %mul3A_536 = arith.mulf %get3A_516, %div3A_531 : vector<16xf32>
        %add3A_537 = arith.constant 5.000000e-01 : f32
        %add3A_538 = vector.broadcast %add3A_537 : f32 to vector<16xf32>
        %add3A_539 = arith.addf %mul3A_536, %add3A_538 : vector<16xf32>
        %mul3A_540 = arith.constant 2.560000e+02 : f32
        %mul3A_541 = vector.broadcast %mul3A_540 : f32 to vector<16xf32>
        %mul3A_542 = arith.mulf %add3A_535, %mul3A_541 : vector<16xf32>
        %max3A = arith.constant 0.000000e+00 : f32
        %max3A_543 = vector.broadcast %max3A : f32 to vector<16xf32>
        %max3A_544 = arith.maximumf %mul3A_542, %max3A_543 : vector<16xf32>
        %min3A = arith.constant 2.550000e+02 : f32
        %min3A_545 = vector.broadcast %min3A : f32 to vector<16xf32>
        %min3A_546 = arith.minimumf %max3A_544, %min3A_545 : vector<16xf32>
        %mul3A_547 = arith.constant 2.560000e+02 : f32
        %mul3A_548 = vector.broadcast %mul3A_547 : f32 to vector<16xf32>
        %mul3A_549 = arith.mulf %add3A_539, %mul3A_548 : vector<16xf32>
        %max3A_550 = arith.constant 0.000000e+00 : f32
        %max3A_551 = vector.broadcast %max3A_550 : f32 to vector<16xf32>
        %max3A_552 = arith.maximumf %mul3A_549, %max3A_551 : vector<16xf32>
        %min3A_553 = arith.constant 2.550000e+02 : f32
        %min3A_554 = vector.broadcast %min3A_553 : f32 to vector<16xf32>
        %min3A_555 = arith.minimumf %max3A_552, %min3A_554 : vector<16xf32>
        %convert_element_type3A_556 = arith.fptosi %min3A_546 : vector<16xf32> to vector<16xi32>
        %convert_element_type3A_557 = arith.fptosi %min3A_555 : vector<16xf32> to vector<16xi32>
        %gt3A = arith.constant 5.000000e-01 : f32
        %gt3A_558 = vector.broadcast %gt3A : f32 to vector<16xf32>
        %gt3A_559 = arith.cmpf ogt, %get3A_528, %gt3A_558 : vector<16xf32>
        %mul3A_560 = arith.mulf %get3A_522, %get3A_528 : vector<16xf32>
        %jit3A_561 = arith.constant 0.000000e+00 : f32
        %broadcast_in_dim3A_562 = vector.broadcast %jit3A_561 : f32 to vector<16xf32>
        %select_n3A_563 = arith.select %gt3A_559, %mul3A_560, %broadcast_in_dim3A_562 : vector<16xi1>, vector<16xf32>
        %mul3A_564 = arith.constant 256 : i32
        %mul3A_565 = vector.broadcast %mul3A_564 : i32 to vector<16xi32>
        %mul3A_566 = arith.muli %convert_element_type3A_557, %mul3A_565 : vector<16xi32>
        %add3A_567 = vector.broadcast %mul3A_42 : i32 to vector<16xi32>
        %add3A_568 = arith.addi %add3A_567, %mul3A_566 : vector<16xi32>
        %add3A_569 = arith.addi %add3A_568, %convert_element_type3A_556 : vector<16xi32>
        %broadcast_in_dim3A_570 = vector.broadcast %add3A_62 : i32 to vector<16xi32>
        %select_n3A_571 = arith.select %gt3A_559, %add3A_569, %broadcast_in_dim3A_570 : vector<16xi1>, vector<16xi32>
        %mul3A_572 = arith.constant 16 : i32
        %mul3A_573 = arith.muli %add3A_502, %mul3A_572 : i32
        %swap3A = arith.index_cast %add3A_484 : i32 to index
        %swap3A_574 = arith.index_cast %mul3A_573 : i32 to index
        %swap3A_575 = tpu.vector_load %arg11[%swap3A, %swap3A_574] {strides = array<i32>} : memref<128x128xi32, #tpu.memory_space<vmem>>, vector<16xi32>,
        tpu.vector_store %arg11[%swap3A, %swap3A_574], %select_n3A_571 {strides = array<i32>} : memref<128x128xi32, #tpu.memory_space<vmem>>, vector<16xi32>,
        %mul3A_576 = arith.constant 16 : i32
        %mul3A_577 = arith.muli %add3A_502, %mul3A_576 : i32
        %swap3A_578 = arith.index_cast %add3A_484 : i32 to index
        %swap3A_579 = arith.index_cast %mul3A_577 : i32 to index
        %swap3A_580 = tpu.vector_load %arg12[%swap3A_578, %swap3A_579] {strides = array<i32>} : memref<128x128xf32, #tpu.memory_space<vmem>>, vector<16xf32>,
        tpu.vector_store %arg12[%swap3A_578, %swap3A_579], %select_n3A_563 {strides = array<i32>} : memref<128x128xf32, #tpu.memory_space<vmem>>, vector<16xf32>,
      }
      %scan3A_489 = arith.constant 8 : i32
      %dma_start3A_490 = arith.constant 0 : i32
      %dma_start3A_491 = tpu.memref_slice %arg12[%add3A_484, %dma_start3A_490] : memref<128x128xf32, #tpu.memory_space<vmem>> -> memref<1x128xf32, #tpu.memory_space<vmem>>
      %dma_start3A_492 = tpu.memref_squeeze %dma_start3A_491 : memref<1x128xf32, #tpu.memory_space<vmem>> -> memref<128xf32, #tpu.memory_space<vmem>>
      %dma_start3A_493 = arith.constant 0 : i32
      %dma_start3A_494 = tpu.memref_slice %arg11[%add3A_484, %dma_start3A_493] : memref<128x128xi32, #tpu.memory_space<vmem>> -> memref<1x128xi32, #tpu.memory_space<vmem>>
      %dma_start3A_495 = tpu.memref_squeeze %dma_start3A_494 : memref<1x128xi32, #tpu.memory_space<vmem>> -> memref<128xi32, #tpu.memory_space<vmem>>
      %dma_start3A_496 = arith.constant 0 : i32
      %dma_start3A_497 = tpu.memref_slice %arg14[%dma_start3A_496] : memref<262272xf32, #tpu.memory_space<vmem_shared>> -> memref<262272xf32, #tpu.memory_space<vmem_shared>>
      tpu.enqueue_indirect_dma source(%dma_start3A_492 : memref<128xf32, #tpu.memory_space<vmem>>) target(%dma_start3A_497 : memref<262272xf32, #tpu.memory_space<vmem_shared>>) offsets(%dma_start3A_495 : memref<128xi32, #tpu.memory_space<vmem>>) semaphore(%arg19 : memref<!tpu.dma_semaphore, #tpu.memory_space<semaphore_mem>>) {add = true}
    }
    %scan3A_317 = arith.constant 32 : i32
    %dma_wait3A_318 = arith.constant 1 : i32
    %dma_wait3A_319 = arith.constant 0 : i32
    %dma_wait3A_320 = tpu.memref_slice %arg7[%dma_wait3A_318, %dma_wait3A_319] : memref<4x4096xf32, #tpu.memory_space<vmem>> -> memref<1x4096xf32, #tpu.memory_space<vmem>>
    %dma_wait3A_321 = tpu.memref_squeeze %dma_wait3A_320 : memref<1x4096xf32, #tpu.memory_space<vmem>> -> memref<4096xf32, #tpu.memory_space<vmem>>
    %dma_wait3A_322 = tpu.memref_slice %arg2[%add3A, %add3A_109] : memref<8x65536xf32, #tpu.memory_space<hbm>> -> memref<1x4096xf32, #tpu.memory_space<hbm>>
    %dma_wait3A_323 = tpu.memref_squeeze %dma_wait3A_322 : memref<1x4096xf32, #tpu.memory_space<hbm>> -> memref<4096xf32, #tpu.memory_space<hbm>>
    %dma_wait3A_324 = arith.constant 0 : i32
    %dma_wait3A_325 = tpu.memref_slice %arg7[%dma_wait3A_318, %dma_wait3A_324] : memref<4x4096xf32, #tpu.memory_space<vmem>> -> memref<1x4096xf32, #tpu.memory_space<vmem>>
    %dma_wait3A_326 = tpu.memref_squeeze %dma_wait3A_325 : memref<1x4096xf32, #tpu.memory_space<vmem>> -> memref<4096xf32, #tpu.memory_space<vmem>>
    %dma_wait3A_327 = tpu.memref_slice %arg2[%add3A, %add3A_109] : memref<8x65536xf32, #tpu.memory_space<hbm>> -> memref<1x4096xf32, #tpu.memory_space<hbm>>
    %dma_wait3A_328 = tpu.memref_squeeze %dma_wait3A_327 : memref<1x4096xf32, #tpu.memory_space<hbm>> -> memref<4096xf32, #tpu.memory_space<hbm>>
    tpu.wait_dma2 semaphore(%arg16 : memref<!tpu.dma_semaphore, #tpu.memory_space<semaphore_mem>>) src(%dma_wait3A_328 : memref<4096xf32, #tpu.memory_space<hbm>>) dst(%dma_wait3A_326 : memref<4096xf32, #tpu.memory_space<vmem>>)
    %dma_wait3A_329 = arith.constant 1 : i32
    %dma_wait3A_330 = arith.constant 0 : i32
    %dma_wait3A_331 = tpu.memref_slice %arg8[%dma_wait3A_329, %dma_wait3A_330] : memref<4x4096xf32, #tpu.memory_space<vmem>> -> memref<1x4096xf32, #tpu.memory_space<vmem>>
    %dma_wait3A_332 = tpu.memref_squeeze %dma_wait3A_331 : memref<1x4096xf32, #tpu.memory_space<vmem>> -> memref<4096xf32, #tpu.memory_space<vmem>>
    %dma_wait3A_333 = tpu.memref_slice %arg3[%add3A, %add3A_109] : memref<8x65536xf32, #tpu.memory_space<hbm>> -> memref<1x4096xf32, #tpu.memory_space<hbm>>
    %dma_wait3A_334 = tpu.memref_squeeze %dma_wait3A_333 : memref<1x4096xf32, #tpu.memory_space<hbm>> -> memref<4096xf32, #tpu.memory_space<hbm>>
    %dma_wait3A_335 = arith.constant 0 : i32
    %dma_wait3A_336 = tpu.memref_slice %arg8[%dma_wait3A_329, %dma_wait3A_335] : memref<4x4096xf32, #tpu.memory_space<vmem>> -> memref<1x4096xf32, #tpu.memory_space<vmem>>
    %dma_wait3A_337 = tpu.memref_squeeze %dma_wait3A_336 : memref<1x4096xf32, #tpu.memory_space<vmem>> -> memref<4096xf32, #tpu.memory_space<vmem>>
    %dma_wait3A_338 = tpu.memref_slice %arg3[%add3A, %add3A_109] : memref<8x65536xf32, #tpu.memory_space<hbm>> -> memref<1x4096xf32, #tpu.memory_space<hbm>>
    %dma_wait3A_339 = tpu.memref_squeeze %dma_wait3A_338 : memref<1x4096xf32, #tpu.memory_space<hbm>> -> memref<4096xf32, #tpu.memory_space<hbm>>
    tpu.wait_dma2 semaphore(%arg16 : memref<!tpu.dma_semaphore, #tpu.memory_space<semaphore_mem>>) src(%dma_wait3A_339 : memref<4096xf32, #tpu.memory_space<hbm>>) dst(%dma_wait3A_337 : memref<4096xf32, #tpu.memory_space<vmem>>)
    %dma_wait3A_340 = arith.constant 1 : i32
    %dma_wait3A_341 = arith.constant 0 : i32
    %dma_wait3A_342 = tpu.memref_slice %arg9[%dma_wait3A_340, %dma_wait3A_341] : memref<4x4096xf32, #tpu.memory_space<vmem>> -> memref<1x4096xf32, #tpu.memory_space<vmem>>
    %dma_wait3A_343 = tpu.memref_squeeze %dma_wait3A_342 : memref<1x4096xf32, #tpu.memory_space<vmem>> -> memref<4096xf32, #tpu.memory_space<vmem>>
    %dma_wait3A_344 = tpu.memref_slice %arg4[%add3A, %add3A_109] : memref<8x65536xf32, #tpu.memory_space<hbm>> -> memref<1x4096xf32, #tpu.memory_space<hbm>>
    %dma_wait3A_345 = tpu.memref_squeeze %dma_wait3A_344 : memref<1x4096xf32, #tpu.memory_space<hbm>> -> memref<4096xf32, #tpu.memory_space<hbm>>
    %dma_wait3A_346 = arith.constant 0 : i32
    %dma_wait3A_347 = tpu.memref_slice %arg9[%dma_wait3A_340, %dma_wait3A_346] : memref<4x4096xf32, #tpu.memory_space<vmem>> -> memref<1x4096xf32, #tpu.memory_space<vmem>>
    %dma_wait3A_348 = tpu.memref_squeeze %dma_wait3A_347 : memref<1x4096xf32, #tpu.memory_space<vmem>> -> memref<4096xf32, #tpu.memory_space<vmem>>
    %dma_wait3A_349 = tpu.memref_slice %arg4[%add3A, %add3A_109] : memref<8x65536xf32, #tpu.memory_space<hbm>> -> memref<1x4096xf32, #tpu.memory_space<hbm>>
    %dma_wait3A_350 = tpu.memref_squeeze %dma_wait3A_349 : memref<1x4096xf32, #tpu.memory_space<hbm>> -> memref<4096xf32, #tpu.memory_space<hbm>>
    tpu.wait_dma2 semaphore(%arg16 : memref<!tpu.dma_semaphore, #tpu.memory_space<semaphore_mem>>) src(%dma_wait3A_350 : memref<4096xf32, #tpu.memory_space<hbm>>) dst(%dma_wait3A_348 : memref<4096xf32, #tpu.memory_space<vmem>>)
    %dma_wait3A_351 = arith.constant 1 : i32
    %dma_wait3A_352 = arith.constant 0 : i32
    %dma_wait3A_353 = tpu.memref_slice %arg10[%dma_wait3A_351, %dma_wait3A_352] : memref<4x4096xf32, #tpu.memory_space<vmem>> -> memref<1x4096xf32, #tpu.memory_space<vmem>>
    %dma_wait3A_354 = tpu.memref_squeeze %dma_wait3A_353 : memref<1x4096xf32, #tpu.memory_space<vmem>> -> memref<4096xf32, #tpu.memory_space<vmem>>
    %dma_wait3A_355 = tpu.memref_slice %arg5[%add3A, %add3A_109] : memref<8x65536xf32, #tpu.memory_space<hbm>> -> memref<1x4096xf32, #tpu.memory_space<hbm>>
    %dma_wait3A_356 = tpu.memref_squeeze %dma_wait3A_355 : memref<1x4096xf32, #tpu.memory_space<hbm>> -> memref<4096xf32, #tpu.memory_space<hbm>>
    %dma_wait3A_357 = arith.constant 0 : i32
    %dma_wait3A_358 = tpu.memref_slice %arg10[%dma_wait3A_351, %dma_wait3A_357] : memref<4x4096xf32, #tpu.memory_space<vmem>> -> memref<1x4096xf32, #tpu.memory_space<vmem>>
    %dma_wait3A_359 = tpu.memref_squeeze %dma_wait3A_358 : memref<1x4096xf32, #tpu.memory_space<vmem>> -> memref<4096xf32, #tpu.memory_space<vmem>>
    %dma_wait3A_360 = tpu.memref_slice %arg5[%add3A, %add3A_109] : memref<8x65536xf32, #tpu.memory_space<hbm>> -> memref<1x4096xf32, #tpu.memory_space<hbm>>
    %dma_wait3A_361 = tpu.memref_squeeze %dma_wait3A_360 : memref<1x4096xf32, #tpu.memory_space<hbm>> -> memref<4096xf32, #tpu.memory_space<hbm>>
    tpu.wait_dma2 semaphore(%arg16 : memref<!tpu.dma_semaphore, #tpu.memory_space<semaphore_mem>>) src(%dma_wait3A_361 : memref<4096xf32, #tpu.memory_space<hbm>>) dst(%dma_wait3A_359 : memref<4096xf32, #tpu.memory_space<vmem>>)
    %scan3A_362 = arith.constant 0 : i32
    %scan3A_363 = arith.constant 32 : i32
    %scan3A_364 = arith.addi %scan3A_362, %scan3A_363 : i32
    %scan3A_365 = arith.constant 1 : i32
    scf.for %scan3A_478 = %scan3A_362 to %scan3A_364 step %scan3A_365  : i32 {
      %mul3A_479 = arith.constant 1 : i32
      %mul3A_480 = arith.muli %scan3A_478, %mul3A_479 : i32
      %add3A_481 = arith.constant 0 : i32
      %add3A_482 = arith.addi %add3A_481, %mul3A_480 : i32
      %add3A_483 = arith.constant 32 : i32
      %add3A_484 = arith.addi %add3A_483, %add3A_482 : i32
      %scan3A_485 = arith.constant 0 : i32
      %scan3A_486 = arith.constant 8 : i32
      %scan3A_487 = arith.addi %scan3A_485, %scan3A_486 : i32
      %scan3A_488 = arith.constant 1 : i32
      scf.for %scan3A_498 = %scan3A_485 to %scan3A_487 step %scan3A_488  : i32 {
        %mul3A_499 = arith.constant 1 : i32
        %mul3A_500 = arith.muli %scan3A_498, %mul3A_499 : i32
        %add3A_501 = arith.constant 0 : i32
        %add3A_502 = arith.addi %add3A_501, %mul3A_500 : i32
        %mul3A_503 = arith.constant 8 : i32
        %mul3A_504 = arith.muli %add3A_482, %mul3A_503 : i32
        %add3A_505 = arith.addi %mul3A_504, %add3A_502 : i32
        %mul3A_506 = arith.constant 16 : i32
        %mul3A_507 = arith.muli %add3A_505, %mul3A_506 : i32
        %get3A = arith.constant 1 : i32
        %get3A_508 = arith.index_cast %get3A : i32 to index
        %get3A_509 = arith.index_cast %mul3A_507 : i32 to index
        %get3A_510 = tpu.vector_load %arg7[%get3A_508, %get3A_509] {strides = array<i32>} : memref<4x4096xf32, #tpu.memory_space<vmem>>, vector<16xf32>,
        %mul3A_511 = arith.constant 16 : i32
        %mul3A_512 = arith.muli %add3A_505, %mul3A_511 : i32
        %get3A_513 = arith.constant 1 : i32
        %get3A_514 = arith.index_cast %get3A_513 : i32 to index
        %get3A_515 = arith.index_cast %mul3A_512 : i32 to index
        %get3A_516 = tpu.vector_load %arg8[%get3A_514, %get3A_515] {strides = array<i32>} : memref<4x4096xf32, #tpu.memory_space<vmem>>, vector<16xf32>,
        %mul3A_517 = arith.constant 16 : i32
        %mul3A_518 = arith.muli %add3A_505, %mul3A_517 : i32
        %get3A_519 = arith.constant 1 : i32
        %get3A_520 = arith.index_cast %get3A_519 : i32 to index
        %get3A_521 = arith.index_cast %mul3A_518 : i32 to index
        %get3A_522 = tpu.vector_load %arg9[%get3A_520, %get3A_521] {strides = array<i32>} : memref<4x4096xf32, #tpu.memory_space<vmem>>, vector<16xf32>,
        %mul3A_523 = arith.constant 16 : i32
        %mul3A_524 = arith.muli %add3A_505, %mul3A_523 : i32
        %get3A_525 = arith.constant 1 : i32
        %get3A_526 = arith.index_cast %get3A_525 : i32 to index
        %get3A_527 = arith.index_cast %mul3A_524 : i32 to index
        %get3A_528 = tpu.vector_load %arg10[%get3A_526, %get3A_527] {strides = array<i32>} : memref<4x4096xf32, #tpu.memory_space<vmem>>, vector<16xf32>,
        %div3A_529 = arith.constant 1.000000e+00 : f32
        %div3A_530 = vector.broadcast %div3A_529 : f32 to vector<16xf32>
        %div3A_531 = arith.divf %div3A_530, %get3A_522 : vector<16xf32>
        %mul3A_532 = arith.mulf %get3A_510, %div3A_531 : vector<16xf32>
        %add3A_533 = arith.constant 5.000000e-01 : f32
        %add3A_534 = vector.broadcast %add3A_533 : f32 to vector<16xf32>
        %add3A_535 = arith.addf %mul3A_532, %add3A_534 : vector<16xf32>
        %mul3A_536 = arith.mulf %get3A_516, %div3A_531 : vector<16xf32>
        %add3A_537 = arith.constant 5.000000e-01 : f32
        %add3A_538 = vector.broadcast %add3A_537 : f32 to vector<16xf32>
        %add3A_539 = arith.addf %mul3A_536, %add3A_538 : vector<16xf32>
        %mul3A_540 = arith.constant 2.560000e+02 : f32
        %mul3A_541 = vector.broadcast %mul3A_540 : f32 to vector<16xf32>
        %mul3A_542 = arith.mulf %add3A_535, %mul3A_541 : vector<16xf32>
        %max3A = arith.constant 0.000000e+00 : f32
        %max3A_543 = vector.broadcast %max3A : f32 to vector<16xf32>
        %max3A_544 = arith.maximumf %mul3A_542, %max3A_543 : vector<16xf32>
        %min3A = arith.constant 2.550000e+02 : f32
        %min3A_545 = vector.broadcast %min3A : f32 to vector<16xf32>
        %min3A_546 = arith.minimumf %max3A_544, %min3A_545 : vector<16xf32>
        %mul3A_547 = arith.constant 2.560000e+02 : f32
        %mul3A_548 = vector.broadcast %mul3A_547 : f32 to vector<16xf32>
        %mul3A_549 = arith.mulf %add3A_539, %mul3A_548 : vector<16xf32>
        %max3A_550 = arith.constant 0.000000e+00 : f32
        %max3A_551 = vector.broadcast %max3A_550 : f32 to vector<16xf32>
        %max3A_552 = arith.maximumf %mul3A_549, %max3A_551 : vector<16xf32>
        %min3A_553 = arith.constant 2.550000e+02 : f32
        %min3A_554 = vector.broadcast %min3A_553 : f32 to vector<16xf32>
        %min3A_555 = arith.minimumf %max3A_552, %min3A_554 : vector<16xf32>
        %convert_element_type3A_556 = arith.fptosi %min3A_546 : vector<16xf32> to vector<16xi32>
        %convert_element_type3A_557 = arith.fptosi %min3A_555 : vector<16xf32> to vector<16xi32>
        %gt3A = arith.constant 5.000000e-01 : f32
        %gt3A_558 = vector.broadcast %gt3A : f32 to vector<16xf32>
        %gt3A_559 = arith.cmpf ogt, %get3A_528, %gt3A_558 : vector<16xf32>
        %mul3A_560 = arith.mulf %get3A_522, %get3A_528 : vector<16xf32>
        %jit3A_561 = arith.constant 0.000000e+00 : f32
        %broadcast_in_dim3A_562 = vector.broadcast %jit3A_561 : f32 to vector<16xf32>
        %select_n3A_563 = arith.select %gt3A_559, %mul3A_560, %broadcast_in_dim3A_562 : vector<16xi1>, vector<16xf32>
        %mul3A_564 = arith.constant 256 : i32
        %mul3A_565 = vector.broadcast %mul3A_564 : i32 to vector<16xi32>
        %mul3A_566 = arith.muli %convert_element_type3A_557, %mul3A_565 : vector<16xi32>
        %add3A_567 = vector.broadcast %mul3A_42 : i32 to vector<16xi32>
        %add3A_568 = arith.addi %add3A_567, %mul3A_566 : vector<16xi32>
        %add3A_569 = arith.addi %add3A_568, %convert_element_type3A_556 : vector<16xi32>
        %broadcast_in_dim3A_570 = vector.broadcast %add3A_62 : i32 to vector<16xi32>
        %select_n3A_571 = arith.select %gt3A_559, %add3A_569, %broadcast_in_dim3A_570 : vector<16xi1>, vector<16xi32>
        %mul3A_572 = arith.constant 16 : i32
        %mul3A_573 = arith.muli %add3A_502, %mul3A_572 : i32
        %swap3A = arith.index_cast %add3A_484 : i32 to index
        %swap3A_574 = arith.index_cast %mul3A_573 : i32 to index
        %swap3A_575 = tpu.vector_load %arg11[%swap3A, %swap3A_574] {strides = array<i32>} : memref<128x128xi32, #tpu.memory_space<vmem>>, vector<16xi32>,
        tpu.vector_store %arg11[%swap3A, %swap3A_574], %select_n3A_571 {strides = array<i32>} : memref<128x128xi32, #tpu.memory_space<vmem>>, vector<16xi32>,
        %mul3A_576 = arith.constant 16 : i32
        %mul3A_577 = arith.muli %add3A_502, %mul3A_576 : i32
        %swap3A_578 = arith.index_cast %add3A_484 : i32 to index
        %swap3A_579 = arith.index_cast %mul3A_577 : i32 to index
        %swap3A_580 = tpu.vector_load %arg12[%swap3A_578, %swap3A_579] {strides = array<i32>} : memref<128x128xf32, #tpu.memory_space<vmem>>, vector<16xf32>,
        tpu.vector_store %arg12[%swap3A_578, %swap3A_579], %select_n3A_563 {strides = array<i32>} : memref<128x128xf32, #tpu.memory_space<vmem>>, vector<16xf32>,
      }
      %scan3A_489 = arith.constant 8 : i32
      %dma_start3A_490 = arith.constant 0 : i32
      %dma_start3A_491 = tpu.memref_slice %arg12[%add3A_484, %dma_start3A_490] : memref<128x128xf32, #tpu.memory_space<vmem>> -> memref<1x128xf32, #tpu.memory_space<vmem>>
      %dma_start3A_492 = tpu.memref_squeeze %dma_start3A_491 : memref<1x128xf32, #tpu.memory_space<vmem>> -> memref<128xf32, #tpu.memory_space<vmem>>
      %dma_start3A_493 = arith.constant 0 : i32
      %dma_start3A_494 = tpu.memref_slice %arg11[%add3A_484, %dma_start3A_493] : memref<128x128xi32, #tpu.memory_space<vmem>> -> memref<1x128xi32, #tpu.memory_space<vmem>>
      %dma_start3A_495 = tpu.memref_squeeze %dma_start3A_494 : memref<1x128xi32, #tpu.memory_space<vmem>> -> memref<128xi32, #tpu.memory_space<vmem>>
      %dma_start3A_496 = arith.constant 0 : i32
      %dma_start3A_497 = tpu.memref_slice %arg14[%dma_start3A_496] : memref<262272xf32, #tpu.memory_space<vmem_shared>> -> memref<262272xf32, #tpu.memory_space<vmem_shared>>
      tpu.enqueue_indirect_dma source(%dma_start3A_492 : memref<128xf32, #tpu.memory_space<vmem>>) target(%dma_start3A_497 : memref<262272xf32, #tpu.memory_space<vmem_shared>>) offsets(%dma_start3A_495 : memref<128xi32, #tpu.memory_space<vmem>>) semaphore(%arg19 : memref<!tpu.dma_semaphore, #tpu.memory_space<semaphore_mem>>) {add = true}
    }
    %scan3A_366 = arith.constant 32 : i32
    %dma_wait3A_367 = arith.constant 2 : i32
    %dma_wait3A_368 = arith.constant 0 : i32
    %dma_wait3A_369 = tpu.memref_slice %arg7[%dma_wait3A_367, %dma_wait3A_368] : memref<4x4096xf32, #tpu.memory_space<vmem>> -> memref<1x4096xf32, #tpu.memory_space<vmem>>
    %dma_wait3A_370 = tpu.memref_squeeze %dma_wait3A_369 : memref<1x4096xf32, #tpu.memory_space<vmem>> -> memref<4096xf32, #tpu.memory_space<vmem>>
    %dma_wait3A_371 = tpu.memref_slice %arg2[%add3A, %add3A_155] : memref<8x65536xf32, #tpu.memory_space<hbm>> -> memref<1x4096xf32, #tpu.memory_space<hbm>>
    %dma_wait3A_372 = tpu.memref_squeeze %dma_wait3A_371 : memref<1x4096xf32, #tpu.memory_space<hbm>> -> memref<4096xf32, #tpu.memory_space<hbm>>
    %dma_wait3A_373 = arith.constant 0 : i32
    %dma_wait3A_374 = tpu.memref_slice %arg7[%dma_wait3A_367, %dma_wait3A_373] : memref<4x4096xf32, #tpu.memory_space<vmem>> -> memref<1x4096xf32, #tpu.memory_space<vmem>>
    %dma_wait3A_375 = tpu.memref_squeeze %dma_wait3A_374 : memref<1x4096xf32, #tpu.memory_space<vmem>> -> memref<4096xf32, #tpu.memory_space<vmem>>
    %dma_wait3A_376 = tpu.memref_slice %arg2[%add3A, %add3A_155] : memref<8x65536xf32, #tpu.memory_space<hbm>> -> memref<1x4096xf32, #tpu.memory_space<hbm>>
    %dma_wait3A_377 = tpu.memref_squeeze %dma_wait3A_376 : memref<1x4096xf32, #tpu.memory_space<hbm>> -> memref<4096xf32, #tpu.memory_space<hbm>>
    tpu.wait_dma2 semaphore(%arg17 : memref<!tpu.dma_semaphore, #tpu.memory_space<semaphore_mem>>) src(%dma_wait3A_377 : memref<4096xf32, #tpu.memory_space<hbm>>) dst(%dma_wait3A_375 : memref<4096xf32, #tpu.memory_space<vmem>>)
    %dma_wait3A_378 = arith.constant 2 : i32
    %dma_wait3A_379 = arith.constant 0 : i32
    %dma_wait3A_380 = tpu.memref_slice %arg8[%dma_wait3A_378, %dma_wait3A_379] : memref<4x4096xf32, #tpu.memory_space<vmem>> -> memref<1x4096xf32, #tpu.memory_space<vmem>>
    %dma_wait3A_381 = tpu.memref_squeeze %dma_wait3A_380 : memref<1x4096xf32, #tpu.memory_space<vmem>> -> memref<4096xf32, #tpu.memory_space<vmem>>
    %dma_wait3A_382 = tpu.memref_slice %arg3[%add3A, %add3A_155] : memref<8x65536xf32, #tpu.memory_space<hbm>> -> memref<1x4096xf32, #tpu.memory_space<hbm>>
    %dma_wait3A_383 = tpu.memref_squeeze %dma_wait3A_382 : memref<1x4096xf32, #tpu.memory_space<hbm>> -> memref<4096xf32, #tpu.memory_space<hbm>>
    %dma_wait3A_384 = arith.constant 0 : i32
    %dma_wait3A_385 = tpu.memref_slice %arg8[%dma_wait3A_378, %dma_wait3A_384] : memref<4x4096xf32, #tpu.memory_space<vmem>> -> memref<1x4096xf32, #tpu.memory_space<vmem>>
    %dma_wait3A_386 = tpu.memref_squeeze %dma_wait3A_385 : memref<1x4096xf32, #tpu.memory_space<vmem>> -> memref<4096xf32, #tpu.memory_space<vmem>>
    %dma_wait3A_387 = tpu.memref_slice %arg3[%add3A, %add3A_155] : memref<8x65536xf32, #tpu.memory_space<hbm>> -> memref<1x4096xf32, #tpu.memory_space<hbm>>
    %dma_wait3A_388 = tpu.memref_squeeze %dma_wait3A_387 : memref<1x4096xf32, #tpu.memory_space<hbm>> -> memref<4096xf32, #tpu.memory_space<hbm>>
    tpu.wait_dma2 semaphore(%arg17 : memref<!tpu.dma_semaphore, #tpu.memory_space<semaphore_mem>>) src(%dma_wait3A_388 : memref<4096xf32, #tpu.memory_space<hbm>>) dst(%dma_wait3A_386 : memref<4096xf32, #tpu.memory_space<vmem>>)
    %dma_wait3A_389 = arith.constant 2 : i32
    %dma_wait3A_390 = arith.constant 0 : i32
    %dma_wait3A_391 = tpu.memref_slice %arg9[%dma_wait3A_389, %dma_wait3A_390] : memref<4x4096xf32, #tpu.memory_space<vmem>> -> memref<1x4096xf32, #tpu.memory_space<vmem>>
    %dma_wait3A_392 = tpu.memref_squeeze %dma_wait3A_391 : memref<1x4096xf32, #tpu.memory_space<vmem>> -> memref<4096xf32, #tpu.memory_space<vmem>>
    %dma_wait3A_393 = tpu.memref_slice %arg4[%add3A, %add3A_155] : memref<8x65536xf32, #tpu.memory_space<hbm>> -> memref<1x4096xf32, #tpu.memory_space<hbm>>
    %dma_wait3A_394 = tpu.memref_squeeze %dma_wait3A_393 : memref<1x4096xf32, #tpu.memory_space<hbm>> -> memref<4096xf32, #tpu.memory_space<hbm>>
    %dma_wait3A_395 = arith.constant 0 : i32
    %dma_wait3A_396 = tpu.memref_slice %arg9[%dma_wait3A_389, %dma_wait3A_395] : memref<4x4096xf32, #tpu.memory_space<vmem>> -> memref<1x4096xf32, #tpu.memory_space<vmem>>
    %dma_wait3A_397 = tpu.memref_squeeze %dma_wait3A_396 : memref<1x4096xf32, #tpu.memory_space<vmem>> -> memref<4096xf32, #tpu.memory_space<vmem>>
    %dma_wait3A_398 = tpu.memref_slice %arg4[%add3A, %add3A_155] : memref<8x65536xf32, #tpu.memory_space<hbm>> -> memref<1x4096xf32, #tpu.memory_space<hbm>>
    %dma_wait3A_399 = tpu.memref_squeeze %dma_wait3A_398 : memref<1x4096xf32, #tpu.memory_space<hbm>> -> memref<4096xf32, #tpu.memory_space<hbm>>
    tpu.wait_dma2 semaphore(%arg17 : memref<!tpu.dma_semaphore, #tpu.memory_space<semaphore_mem>>) src(%dma_wait3A_399 : memref<4096xf32, #tpu.memory_space<hbm>>) dst(%dma_wait3A_397 : memref<4096xf32, #tpu.memory_space<vmem>>)
    %dma_wait3A_400 = arith.constant 2 : i32
    %dma_wait3A_401 = arith.constant 0 : i32
    %dma_wait3A_402 = tpu.memref_slice %arg10[%dma_wait3A_400, %dma_wait3A_401] : memref<4x4096xf32, #tpu.memory_space<vmem>> -> memref<1x4096xf32, #tpu.memory_space<vmem>>
    %dma_wait3A_403 = tpu.memref_squeeze %dma_wait3A_402 : memref<1x4096xf32, #tpu.memory_space<vmem>> -> memref<4096xf32, #tpu.memory_space<vmem>>
    %dma_wait3A_404 = tpu.memref_slice %arg5[%add3A, %add3A_155] : memref<8x65536xf32, #tpu.memory_space<hbm>> -> memref<1x4096xf32, #tpu.memory_space<hbm>>
    %dma_wait3A_405 = tpu.memref_squeeze %dma_wait3A_404 : memref<1x4096xf32, #tpu.memory_space<hbm>> -> memref<4096xf32, #tpu.memory_space<hbm>>
    %dma_wait3A_406 = arith.constant 0 : i32
    %dma_wait3A_407 = tpu.memref_slice %arg10[%dma_wait3A_400, %dma_wait3A_406] : memref<4x4096xf32, #tpu.memory_space<vmem>> -> memref<1x4096xf32, #tpu.memory_space<vmem>>
    %dma_wait3A_408 = tpu.memref_squeeze %dma_wait3A_407 : memref<1x4096xf32, #tpu.memory_space<vmem>> -> memref<4096xf32, #tpu.memory_space<vmem>>
    %dma_wait3A_409 = tpu.memref_slice %arg5[%add3A, %add3A_155] : memref<8x65536xf32, #tpu.memory_space<hbm>> -> memref<1x4096xf32, #tpu.memory_space<hbm>>
    %dma_wait3A_410 = tpu.memref_squeeze %dma_wait3A_409 : memref<1x4096xf32, #tpu.memory_space<hbm>> -> memref<4096xf32, #tpu.memory_space<hbm>>
    tpu.wait_dma2 semaphore(%arg17 : memref<!tpu.dma_semaphore, #tpu.memory_space<semaphore_mem>>) src(%dma_wait3A_410 : memref<4096xf32, #tpu.memory_space<hbm>>) dst(%dma_wait3A_408 : memref<4096xf32, #tpu.memory_space<vmem>>)
    %scan3A_411 = arith.constant 0 : i32
    %scan3A_412 = arith.constant 32 : i32
    %scan3A_413 = arith.addi %scan3A_411, %scan3A_412 : i32
    %scan3A_414 = arith.constant 1 : i32
    scf.for %scan3A_478 = %scan3A_411 to %scan3A_413 step %scan3A_414  : i32 {
      %mul3A_479 = arith.constant 1 : i32
      %mul3A_480 = arith.muli %scan3A_478, %mul3A_479 : i32
      %add3A_481 = arith.constant 0 : i32
      %add3A_482 = arith.addi %add3A_481, %mul3A_480 : i32
      %add3A_483 = arith.constant 64 : i32
      %add3A_484 = arith.addi %add3A_483, %add3A_482 : i32
      %scan3A_485 = arith.constant 0 : i32
      %scan3A_486 = arith.constant 8 : i32
      %scan3A_487 = arith.addi %scan3A_485, %scan3A_486 : i32
      %scan3A_488 = arith.constant 1 : i32
      scf.for %scan3A_498 = %scan3A_485 to %scan3A_487 step %scan3A_488  : i32 {
        %mul3A_499 = arith.constant 1 : i32
        %mul3A_500 = arith.muli %scan3A_498, %mul3A_499 : i32
        %add3A_501 = arith.constant 0 : i32
        %add3A_502 = arith.addi %add3A_501, %mul3A_500 : i32
        %mul3A_503 = arith.constant 8 : i32
        %mul3A_504 = arith.muli %add3A_482, %mul3A_503 : i32
        %add3A_505 = arith.addi %mul3A_504, %add3A_502 : i32
        %mul3A_506 = arith.constant 16 : i32
        %mul3A_507 = arith.muli %add3A_505, %mul3A_506 : i32
        %get3A = arith.constant 2 : i32
        %get3A_508 = arith.index_cast %get3A : i32 to index
        %get3A_509 = arith.index_cast %mul3A_507 : i32 to index
        %get3A_510 = tpu.vector_load %arg7[%get3A_508, %get3A_509] {strides = array<i32>} : memref<4x4096xf32, #tpu.memory_space<vmem>>, vector<16xf32>,
        %mul3A_511 = arith.constant 16 : i32
        %mul3A_512 = arith.muli %add3A_505, %mul3A_511 : i32
        %get3A_513 = arith.constant 2 : i32
        %get3A_514 = arith.index_cast %get3A_513 : i32 to index
        %get3A_515 = arith.index_cast %mul3A_512 : i32 to index
        %get3A_516 = tpu.vector_load %arg8[%get3A_514, %get3A_515] {strides = array<i32>} : memref<4x4096xf32, #tpu.memory_space<vmem>>, vector<16xf32>,
        %mul3A_517 = arith.constant 16 : i32
        %mul3A_518 = arith.muli %add3A_505, %mul3A_517 : i32
        %get3A_519 = arith.constant 2 : i32
        %get3A_520 = arith.index_cast %get3A_519 : i32 to index
        %get3A_521 = arith.index_cast %mul3A_518 : i32 to index
        %get3A_522 = tpu.vector_load %arg9[%get3A_520, %get3A_521] {strides = array<i32>} : memref<4x4096xf32, #tpu.memory_space<vmem>>, vector<16xf32>,
        %mul3A_523 = arith.constant 16 : i32
        %mul3A_524 = arith.muli %add3A_505, %mul3A_523 : i32
        %get3A_525 = arith.constant 2 : i32
        %get3A_526 = arith.index_cast %get3A_525 : i32 to index
        %get3A_527 = arith.index_cast %mul3A_524 : i32 to index
        %get3A_528 = tpu.vector_load %arg10[%get3A_526, %get3A_527] {strides = array<i32>} : memref<4x4096xf32, #tpu.memory_space<vmem>>, vector<16xf32>,
        %div3A_529 = arith.constant 1.000000e+00 : f32
        %div3A_530 = vector.broadcast %div3A_529 : f32 to vector<16xf32>
        %div3A_531 = arith.divf %div3A_530, %get3A_522 : vector<16xf32>
        %mul3A_532 = arith.mulf %get3A_510, %div3A_531 : vector<16xf32>
        %add3A_533 = arith.constant 5.000000e-01 : f32
        %add3A_534 = vector.broadcast %add3A_533 : f32 to vector<16xf32>
        %add3A_535 = arith.addf %mul3A_532, %add3A_534 : vector<16xf32>
        %mul3A_536 = arith.mulf %get3A_516, %div3A_531 : vector<16xf32>
        %add3A_537 = arith.constant 5.000000e-01 : f32
        %add3A_538 = vector.broadcast %add3A_537 : f32 to vector<16xf32>
        %add3A_539 = arith.addf %mul3A_536, %add3A_538 : vector<16xf32>
        %mul3A_540 = arith.constant 2.560000e+02 : f32
        %mul3A_541 = vector.broadcast %mul3A_540 : f32 to vector<16xf32>
        %mul3A_542 = arith.mulf %add3A_535, %mul3A_541 : vector<16xf32>
        %max3A = arith.constant 0.000000e+00 : f32
        %max3A_543 = vector.broadcast %max3A : f32 to vector<16xf32>
        %max3A_544 = arith.maximumf %mul3A_542, %max3A_543 : vector<16xf32>
        %min3A = arith.constant 2.550000e+02 : f32
        %min3A_545 = vector.broadcast %min3A : f32 to vector<16xf32>
        %min3A_546 = arith.minimumf %max3A_544, %min3A_545 : vector<16xf32>
        %mul3A_547 = arith.constant 2.560000e+02 : f32
        %mul3A_548 = vector.broadcast %mul3A_547 : f32 to vector<16xf32>
        %mul3A_549 = arith.mulf %add3A_539, %mul3A_548 : vector<16xf32>
        %max3A_550 = arith.constant 0.000000e+00 : f32
        %max3A_551 = vector.broadcast %max3A_550 : f32 to vector<16xf32>
        %max3A_552 = arith.maximumf %mul3A_549, %max3A_551 : vector<16xf32>
        %min3A_553 = arith.constant 2.550000e+02 : f32
        %min3A_554 = vector.broadcast %min3A_553 : f32 to vector<16xf32>
        %min3A_555 = arith.minimumf %max3A_552, %min3A_554 : vector<16xf32>
        %convert_element_type3A_556 = arith.fptosi %min3A_546 : vector<16xf32> to vector<16xi32>
        %convert_element_type3A_557 = arith.fptosi %min3A_555 : vector<16xf32> to vector<16xi32>
        %gt3A = arith.constant 5.000000e-01 : f32
        %gt3A_558 = vector.broadcast %gt3A : f32 to vector<16xf32>
        %gt3A_559 = arith.cmpf ogt, %get3A_528, %gt3A_558 : vector<16xf32>
        %mul3A_560 = arith.mulf %get3A_522, %get3A_528 : vector<16xf32>
        %jit3A_561 = arith.constant 0.000000e+00 : f32
        %broadcast_in_dim3A_562 = vector.broadcast %jit3A_561 : f32 to vector<16xf32>
        %select_n3A_563 = arith.select %gt3A_559, %mul3A_560, %broadcast_in_dim3A_562 : vector<16xi1>, vector<16xf32>
        %mul3A_564 = arith.constant 256 : i32
        %mul3A_565 = vector.broadcast %mul3A_564 : i32 to vector<16xi32>
        %mul3A_566 = arith.muli %convert_element_type3A_557, %mul3A_565 : vector<16xi32>
        %add3A_567 = vector.broadcast %mul3A_42 : i32 to vector<16xi32>
        %add3A_568 = arith.addi %add3A_567, %mul3A_566 : vector<16xi32>
        %add3A_569 = arith.addi %add3A_568, %convert_element_type3A_556 : vector<16xi32>
        %broadcast_in_dim3A_570 = vector.broadcast %add3A_62 : i32 to vector<16xi32>
        %select_n3A_571 = arith.select %gt3A_559, %add3A_569, %broadcast_in_dim3A_570 : vector<16xi1>, vector<16xi32>
        %mul3A_572 = arith.constant 16 : i32
        %mul3A_573 = arith.muli %add3A_502, %mul3A_572 : i32
        %swap3A = arith.index_cast %add3A_484 : i32 to index
        %swap3A_574 = arith.index_cast %mul3A_573 : i32 to index
        %swap3A_575 = tpu.vector_load %arg11[%swap3A, %swap3A_574] {strides = array<i32>} : memref<128x128xi32, #tpu.memory_space<vmem>>, vector<16xi32>,
        tpu.vector_store %arg11[%swap3A, %swap3A_574], %select_n3A_571 {strides = array<i32>} : memref<128x128xi32, #tpu.memory_space<vmem>>, vector<16xi32>,
        %mul3A_576 = arith.constant 16 : i32
        %mul3A_577 = arith.muli %add3A_502, %mul3A_576 : i32
        %swap3A_578 = arith.index_cast %add3A_484 : i32 to index
        %swap3A_579 = arith.index_cast %mul3A_577 : i32 to index
        %swap3A_580 = tpu.vector_load %arg12[%swap3A_578, %swap3A_579] {strides = array<i32>} : memref<128x128xf32, #tpu.memory_space<vmem>>, vector<16xf32>,
        tpu.vector_store %arg12[%swap3A_578, %swap3A_579], %select_n3A_563 {strides = array<i32>} : memref<128x128xf32, #tpu.memory_space<vmem>>, vector<16xf32>,
      }
      %scan3A_489 = arith.constant 8 : i32
      %dma_start3A_490 = arith.constant 0 : i32
      %dma_start3A_491 = tpu.memref_slice %arg12[%add3A_484, %dma_start3A_490] : memref<128x128xf32, #tpu.memory_space<vmem>> -> memref<1x128xf32, #tpu.memory_space<vmem>>
      %dma_start3A_492 = tpu.memref_squeeze %dma_start3A_491 : memref<1x128xf32, #tpu.memory_space<vmem>> -> memref<128xf32, #tpu.memory_space<vmem>>
      %dma_start3A_493 = arith.constant 0 : i32
      %dma_start3A_494 = tpu.memref_slice %arg11[%add3A_484, %dma_start3A_493] : memref<128x128xi32, #tpu.memory_space<vmem>> -> memref<1x128xi32, #tpu.memory_space<vmem>>
      %dma_start3A_495 = tpu.memref_squeeze %dma_start3A_494 : memref<1x128xi32, #tpu.memory_space<vmem>> -> memref<128xi32, #tpu.memory_space<vmem>>
      %dma_start3A_496 = arith.constant 0 : i32
      %dma_start3A_497 = tpu.memref_slice %arg14[%dma_start3A_496] : memref<262272xf32, #tpu.memory_space<vmem_shared>> -> memref<262272xf32, #tpu.memory_space<vmem_shared>>
      tpu.enqueue_indirect_dma source(%dma_start3A_492 : memref<128xf32, #tpu.memory_space<vmem>>) target(%dma_start3A_497 : memref<262272xf32, #tpu.memory_space<vmem_shared>>) offsets(%dma_start3A_495 : memref<128xi32, #tpu.memory_space<vmem>>) semaphore(%arg19 : memref<!tpu.dma_semaphore, #tpu.memory_space<semaphore_mem>>) {add = true}
    }
    %scan3A_415 = arith.constant 32 : i32
    %dma_wait3A_416 = arith.constant 3 : i32
    %dma_wait3A_417 = arith.constant 0 : i32
    %dma_wait3A_418 = tpu.memref_slice %arg7[%dma_wait3A_416, %dma_wait3A_417] : memref<4x4096xf32, #tpu.memory_space<vmem>> -> memref<1x4096xf32, #tpu.memory_space<vmem>>
    %dma_wait3A_419 = tpu.memref_squeeze %dma_wait3A_418 : memref<1x4096xf32, #tpu.memory_space<vmem>> -> memref<4096xf32, #tpu.memory_space<vmem>>
    %dma_wait3A_420 = tpu.memref_slice %arg2[%add3A, %add3A_201] : memref<8x65536xf32, #tpu.memory_space<hbm>> -> memref<1x4096xf32, #tpu.memory_space<hbm>>
    %dma_wait3A_421 = tpu.memref_squeeze %dma_wait3A_420 : memref<1x4096xf32, #tpu.memory_space<hbm>> -> memref<4096xf32, #tpu.memory_space<hbm>>
    %dma_wait3A_422 = arith.constant 0 : i32
    %dma_wait3A_423 = tpu.memref_slice %arg7[%dma_wait3A_416, %dma_wait3A_422] : memref<4x4096xf32, #tpu.memory_space<vmem>> -> memref<1x4096xf32, #tpu.memory_space<vmem>>
    %dma_wait3A_424 = tpu.memref_squeeze %dma_wait3A_423 : memref<1x4096xf32, #tpu.memory_space<vmem>> -> memref<4096xf32, #tpu.memory_space<vmem>>
    %dma_wait3A_425 = tpu.memref_slice %arg2[%add3A, %add3A_201] : memref<8x65536xf32, #tpu.memory_space<hbm>> -> memref<1x4096xf32, #tpu.memory_space<hbm>>
    %dma_wait3A_426 = tpu.memref_squeeze %dma_wait3A_425 : memref<1x4096xf32, #tpu.memory_space<hbm>> -> memref<4096xf32, #tpu.memory_space<hbm>>
    tpu.wait_dma2 semaphore(%arg18 : memref<!tpu.dma_semaphore, #tpu.memory_space<semaphore_mem>>) src(%dma_wait3A_426 : memref<4096xf32, #tpu.memory_space<hbm>>) dst(%dma_wait3A_424 : memref<4096xf32, #tpu.memory_space<vmem>>)
    %dma_wait3A_427 = arith.constant 3 : i32
    %dma_wait3A_428 = arith.constant 0 : i32
    %dma_wait3A_429 = tpu.memref_slice %arg8[%dma_wait3A_427, %dma_wait3A_428] : memref<4x4096xf32, #tpu.memory_space<vmem>> -> memref<1x4096xf32, #tpu.memory_space<vmem>>
    %dma_wait3A_430 = tpu.memref_squeeze %dma_wait3A_429 : memref<1x4096xf32, #tpu.memory_space<vmem>> -> memref<4096xf32, #tpu.memory_space<vmem>>
    %dma_wait3A_431 = tpu.memref_slice %arg3[%add3A, %add3A_201] : memref<8x65536xf32, #tpu.memory_space<hbm>> -> memref<1x4096xf32, #tpu.memory_space<hbm>>
    %dma_wait3A_432 = tpu.memref_squeeze %dma_wait3A_431 : memref<1x4096xf32, #tpu.memory_space<hbm>> -> memref<4096xf32, #tpu.memory_space<hbm>>
    %dma_wait3A_433 = arith.constant 0 : i32
    %dma_wait3A_434 = tpu.memref_slice %arg8[%dma_wait3A_427, %dma_wait3A_433] : memref<4x4096xf32, #tpu.memory_space<vmem>> -> memref<1x4096xf32, #tpu.memory_space<vmem>>
    %dma_wait3A_435 = tpu.memref_squeeze %dma_wait3A_434 : memref<1x4096xf32, #tpu.memory_space<vmem>> -> memref<4096xf32, #tpu.memory_space<vmem>>
    %dma_wait3A_436 = tpu.memref_slice %arg3[%add3A, %add3A_201] : memref<8x65536xf32, #tpu.memory_space<hbm>> -> memref<1x4096xf32, #tpu.memory_space<hbm>>
    %dma_wait3A_437 = tpu.memref_squeeze %dma_wait3A_436 : memref<1x4096xf32, #tpu.memory_space<hbm>> -> memref<4096xf32, #tpu.memory_space<hbm>>
    tpu.wait_dma2 semaphore(%arg18 : memref<!tpu.dma_semaphore, #tpu.memory_space<semaphore_mem>>) src(%dma_wait3A_437 : memref<4096xf32, #tpu.memory_space<hbm>>) dst(%dma_wait3A_435 : memref<4096xf32, #tpu.memory_space<vmem>>)
    %dma_wait3A_438 = arith.constant 3 : i32
    %dma_wait3A_439 = arith.constant 0 : i32
    %dma_wait3A_440 = tpu.memref_slice %arg9[%dma_wait3A_438, %dma_wait3A_439] : memref<4x4096xf32, #tpu.memory_space<vmem>> -> memref<1x4096xf32, #tpu.memory_space<vmem>>
    %dma_wait3A_441 = tpu.memref_squeeze %dma_wait3A_440 : memref<1x4096xf32, #tpu.memory_space<vmem>> -> memref<4096xf32, #tpu.memory_space<vmem>>
    %dma_wait3A_442 = tpu.memref_slice %arg4[%add3A, %add3A_201] : memref<8x65536xf32, #tpu.memory_space<hbm>> -> memref<1x4096xf32, #tpu.memory_space<hbm>>
    %dma_wait3A_443 = tpu.memref_squeeze %dma_wait3A_442 : memref<1x4096xf32, #tpu.memory_space<hbm>> -> memref<4096xf32, #tpu.memory_space<hbm>>
    %dma_wait3A_444 = arith.constant 0 : i32
    %dma_wait3A_445 = tpu.memref_slice %arg9[%dma_wait3A_438, %dma_wait3A_444] : memref<4x4096xf32, #tpu.memory_space<vmem>> -> memref<1x4096xf32, #tpu.memory_space<vmem>>
    %dma_wait3A_446 = tpu.memref_squeeze %dma_wait3A_445 : memref<1x4096xf32, #tpu.memory_space<vmem>> -> memref<4096xf32, #tpu.memory_space<vmem>>
    %dma_wait3A_447 = tpu.memref_slice %arg4[%add3A, %add3A_201] : memref<8x65536xf32, #tpu.memory_space<hbm>> -> memref<1x4096xf32, #tpu.memory_space<hbm>>
    %dma_wait3A_448 = tpu.memref_squeeze %dma_wait3A_447 : memref<1x4096xf32, #tpu.memory_space<hbm>> -> memref<4096xf32, #tpu.memory_space<hbm>>
    tpu.wait_dma2 semaphore(%arg18 : memref<!tpu.dma_semaphore, #tpu.memory_space<semaphore_mem>>) src(%dma_wait3A_448 : memref<4096xf32, #tpu.memory_space<hbm>>) dst(%dma_wait3A_446 : memref<4096xf32, #tpu.memory_space<vmem>>)
    %dma_wait3A_449 = arith.constant 3 : i32
    %dma_wait3A_450 = arith.constant 0 : i32
    %dma_wait3A_451 = tpu.memref_slice %arg10[%dma_wait3A_449, %dma_wait3A_450] : memref<4x4096xf32, #tpu.memory_space<vmem>> -> memref<1x4096xf32, #tpu.memory_space<vmem>>
    %dma_wait3A_452 = tpu.memref_squeeze %dma_wait3A_451 : memref<1x4096xf32, #tpu.memory_space<vmem>> -> memref<4096xf32, #tpu.memory_space<vmem>>
    %dma_wait3A_453 = tpu.memref_slice %arg5[%add3A, %add3A_201] : memref<8x65536xf32, #tpu.memory_space<hbm>> -> memref<1x4096xf32, #tpu.memory_space<hbm>>
    %dma_wait3A_454 = tpu.memref_squeeze %dma_wait3A_453 : memref<1x4096xf32, #tpu.memory_space<hbm>> -> memref<4096xf32, #tpu.memory_space<hbm>>
    %dma_wait3A_455 = arith.constant 0 : i32
    %dma_wait3A_456 = tpu.memref_slice %arg10[%dma_wait3A_449, %dma_wait3A_455] : memref<4x4096xf32, #tpu.memory_space<vmem>> -> memref<1x4096xf32, #tpu.memory_space<vmem>>
    %dma_wait3A_457 = tpu.memref_squeeze %dma_wait3A_456 : memref<1x4096xf32, #tpu.memory_space<vmem>> -> memref<4096xf32, #tpu.memory_space<vmem>>
    %dma_wait3A_458 = tpu.memref_slice %arg5[%add3A, %add3A_201] : memref<8x65536xf32, #tpu.memory_space<hbm>> -> memref<1x4096xf32, #tpu.memory_space<hbm>>
    %dma_wait3A_459 = tpu.memref_squeeze %dma_wait3A_458 : memref<1x4096xf32, #tpu.memory_space<hbm>> -> memref<4096xf32, #tpu.memory_space<hbm>>
    tpu.wait_dma2 semaphore(%arg18 : memref<!tpu.dma_semaphore, #tpu.memory_space<semaphore_mem>>) src(%dma_wait3A_459 : memref<4096xf32, #tpu.memory_space<hbm>>) dst(%dma_wait3A_457 : memref<4096xf32, #tpu.memory_space<vmem>>)
    %scan3A_460 = arith.constant 0 : i32
    %scan3A_461 = arith.constant 32 : i32
    %scan3A_462 = arith.addi %scan3A_460, %scan3A_461 : i32
    %scan3A_463 = arith.constant 1 : i32
    scf.for %scan3A_478 = %scan3A_460 to %scan3A_462 step %scan3A_463  : i32 {
      %mul3A_479 = arith.constant 1 : i32
      %mul3A_480 = arith.muli %scan3A_478, %mul3A_479 : i32
      %add3A_481 = arith.constant 0 : i32
      %add3A_482 = arith.addi %add3A_481, %mul3A_480 : i32
      %add3A_483 = arith.constant 96 : i32
      %add3A_484 = arith.addi %add3A_483, %add3A_482 : i32
      %scan3A_485 = arith.constant 0 : i32
      %scan3A_486 = arith.constant 8 : i32
      %scan3A_487 = arith.addi %scan3A_485, %scan3A_486 : i32
      %scan3A_488 = arith.constant 1 : i32
      scf.for %scan3A_498 = %scan3A_485 to %scan3A_487 step %scan3A_488  : i32 {
        %mul3A_499 = arith.constant 1 : i32
        %mul3A_500 = arith.muli %scan3A_498, %mul3A_499 : i32
        %add3A_501 = arith.constant 0 : i32
        %add3A_502 = arith.addi %add3A_501, %mul3A_500 : i32
        %mul3A_503 = arith.constant 8 : i32
        %mul3A_504 = arith.muli %add3A_482, %mul3A_503 : i32
        %add3A_505 = arith.addi %mul3A_504, %add3A_502 : i32
        %mul3A_506 = arith.constant 16 : i32
        %mul3A_507 = arith.muli %add3A_505, %mul3A_506 : i32
        %get3A = arith.constant 3 : i32
        %get3A_508 = arith.index_cast %get3A : i32 to index
        %get3A_509 = arith.index_cast %mul3A_507 : i32 to index
        %get3A_510 = tpu.vector_load %arg7[%get3A_508, %get3A_509] {strides = array<i32>} : memref<4x4096xf32, #tpu.memory_space<vmem>>, vector<16xf32>,
        %mul3A_511 = arith.constant 16 : i32
        %mul3A_512 = arith.muli %add3A_505, %mul3A_511 : i32
        %get3A_513 = arith.constant 3 : i32
        %get3A_514 = arith.index_cast %get3A_513 : i32 to index
        %get3A_515 = arith.index_cast %mul3A_512 : i32 to index
        %get3A_516 = tpu.vector_load %arg8[%get3A_514, %get3A_515] {strides = array<i32>} : memref<4x4096xf32, #tpu.memory_space<vmem>>, vector<16xf32>,
        %mul3A_517 = arith.constant 16 : i32
        %mul3A_518 = arith.muli %add3A_505, %mul3A_517 : i32
        %get3A_519 = arith.constant 3 : i32
        %get3A_520 = arith.index_cast %get3A_519 : i32 to index
        %get3A_521 = arith.index_cast %mul3A_518 : i32 to index
        %get3A_522 = tpu.vector_load %arg9[%get3A_520, %get3A_521] {strides = array<i32>} : memref<4x4096xf32, #tpu.memory_space<vmem>>, vector<16xf32>,
        %mul3A_523 = arith.constant 16 : i32
        %mul3A_524 = arith.muli %add3A_505, %mul3A_523 : i32
        %get3A_525 = arith.constant 3 : i32
        %get3A_526 = arith.index_cast %get3A_525 : i32 to index
        %get3A_527 = arith.index_cast %mul3A_524 : i32 to index
        %get3A_528 = tpu.vector_load %arg10[%get3A_526, %get3A_527] {strides = array<i32>} : memref<4x4096xf32, #tpu.memory_space<vmem>>, vector<16xf32>,
        %div3A_529 = arith.constant 1.000000e+00 : f32
        %div3A_530 = vector.broadcast %div3A_529 : f32 to vector<16xf32>
        %div3A_531 = arith.divf %div3A_530, %get3A_522 : vector<16xf32>
        %mul3A_532 = arith.mulf %get3A_510, %div3A_531 : vector<16xf32>
        %add3A_533 = arith.constant 5.000000e-01 : f32
        %add3A_534 = vector.broadcast %add3A_533 : f32 to vector<16xf32>
        %add3A_535 = arith.addf %mul3A_532, %add3A_534 : vector<16xf32>
        %mul3A_536 = arith.mulf %get3A_516, %div3A_531 : vector<16xf32>
        %add3A_537 = arith.constant 5.000000e-01 : f32
        %add3A_538 = vector.broadcast %add3A_537 : f32 to vector<16xf32>
        %add3A_539 = arith.addf %mul3A_536, %add3A_538 : vector<16xf32>
        %mul3A_540 = arith.constant 2.560000e+02 : f32
        %mul3A_541 = vector.broadcast %mul3A_540 : f32 to vector<16xf32>
        %mul3A_542 = arith.mulf %add3A_535, %mul3A_541 : vector<16xf32>
        %max3A = arith.constant 0.000000e+00 : f32
        %max3A_543 = vector.broadcast %max3A : f32 to vector<16xf32>
        %max3A_544 = arith.maximumf %mul3A_542, %max3A_543 : vector<16xf32>
        %min3A = arith.constant 2.550000e+02 : f32
        %min3A_545 = vector.broadcast %min3A : f32 to vector<16xf32>
        %min3A_546 = arith.minimumf %max3A_544, %min3A_545 : vector<16xf32>
        %mul3A_547 = arith.constant 2.560000e+02 : f32
        %mul3A_548 = vector.broadcast %mul3A_547 : f32 to vector<16xf32>
        %mul3A_549 = arith.mulf %add3A_539, %mul3A_548 : vector<16xf32>
        %max3A_550 = arith.constant 0.000000e+00 : f32
        %max3A_551 = vector.broadcast %max3A_550 : f32 to vector<16xf32>
        %max3A_552 = arith.maximumf %mul3A_549, %max3A_551 : vector<16xf32>
        %min3A_553 = arith.constant 2.550000e+02 : f32
        %min3A_554 = vector.broadcast %min3A_553 : f32 to vector<16xf32>
        %min3A_555 = arith.minimumf %max3A_552, %min3A_554 : vector<16xf32>
        %convert_element_type3A_556 = arith.fptosi %min3A_546 : vector<16xf32> to vector<16xi32>
        %convert_element_type3A_557 = arith.fptosi %min3A_555 : vector<16xf32> to vector<16xi32>
        %gt3A = arith.constant 5.000000e-01 : f32
        %gt3A_558 = vector.broadcast %gt3A : f32 to vector<16xf32>
        %gt3A_559 = arith.cmpf ogt, %get3A_528, %gt3A_558 : vector<16xf32>
        %mul3A_560 = arith.mulf %get3A_522, %get3A_528 : vector<16xf32>
        %jit3A_561 = arith.constant 0.000000e+00 : f32
        %broadcast_in_dim3A_562 = vector.broadcast %jit3A_561 : f32 to vector<16xf32>
        %select_n3A_563 = arith.select %gt3A_559, %mul3A_560, %broadcast_in_dim3A_562 : vector<16xi1>, vector<16xf32>
        %mul3A_564 = arith.constant 256 : i32
        %mul3A_565 = vector.broadcast %mul3A_564 : i32 to vector<16xi32>
        %mul3A_566 = arith.muli %convert_element_type3A_557, %mul3A_565 : vector<16xi32>
        %add3A_567 = vector.broadcast %mul3A_42 : i32 to vector<16xi32>
        %add3A_568 = arith.addi %add3A_567, %mul3A_566 : vector<16xi32>
        %add3A_569 = arith.addi %add3A_568, %convert_element_type3A_556 : vector<16xi32>
        %broadcast_in_dim3A_570 = vector.broadcast %add3A_62 : i32 to vector<16xi32>
        %select_n3A_571 = arith.select %gt3A_559, %add3A_569, %broadcast_in_dim3A_570 : vector<16xi1>, vector<16xi32>
        %mul3A_572 = arith.constant 16 : i32
        %mul3A_573 = arith.muli %add3A_502, %mul3A_572 : i32
        %swap3A = arith.index_cast %add3A_484 : i32 to index
        %swap3A_574 = arith.index_cast %mul3A_573 : i32 to index
        %swap3A_575 = tpu.vector_load %arg11[%swap3A, %swap3A_574] {strides = array<i32>} : memref<128x128xi32, #tpu.memory_space<vmem>>, vector<16xi32>,
        tpu.vector_store %arg11[%swap3A, %swap3A_574], %select_n3A_571 {strides = array<i32>} : memref<128x128xi32, #tpu.memory_space<vmem>>, vector<16xi32>,
        %mul3A_576 = arith.constant 16 : i32
        %mul3A_577 = arith.muli %add3A_502, %mul3A_576 : i32
        %swap3A_578 = arith.index_cast %add3A_484 : i32 to index
        %swap3A_579 = arith.index_cast %mul3A_577 : i32 to index
        %swap3A_580 = tpu.vector_load %arg12[%swap3A_578, %swap3A_579] {strides = array<i32>} : memref<128x128xf32, #tpu.memory_space<vmem>>, vector<16xf32>,
        tpu.vector_store %arg12[%swap3A_578, %swap3A_579], %select_n3A_563 {strides = array<i32>} : memref<128x128xf32, #tpu.memory_space<vmem>>, vector<16xf32>,
      }
      %scan3A_489 = arith.constant 8 : i32
      %dma_start3A_490 = arith.constant 0 : i32
      %dma_start3A_491 = tpu.memref_slice %arg12[%add3A_484, %dma_start3A_490] : memref<128x128xf32, #tpu.memory_space<vmem>> -> memref<1x128xf32, #tpu.memory_space<vmem>>
      %dma_start3A_492 = tpu.memref_squeeze %dma_start3A_491 : memref<1x128xf32, #tpu.memory_space<vmem>> -> memref<128xf32, #tpu.memory_space<vmem>>
      %dma_start3A_493 = arith.constant 0 : i32
      %dma_start3A_494 = tpu.memref_slice %arg11[%add3A_484, %dma_start3A_493] : memref<128x128xi32, #tpu.memory_space<vmem>> -> memref<1x128xi32, #tpu.memory_space<vmem>>
      %dma_start3A_495 = tpu.memref_squeeze %dma_start3A_494 : memref<1x128xi32, #tpu.memory_space<vmem>> -> memref<128xi32, #tpu.memory_space<vmem>>
      %dma_start3A_496 = arith.constant 0 : i32
      %dma_start3A_497 = tpu.memref_slice %arg14[%dma_start3A_496] : memref<262272xf32, #tpu.memory_space<vmem_shared>> -> memref<262272xf32, #tpu.memory_space<vmem_shared>>
      tpu.enqueue_indirect_dma source(%dma_start3A_492 : memref<128xf32, #tpu.memory_space<vmem>>) target(%dma_start3A_497 : memref<262272xf32, #tpu.memory_space<vmem_shared>>) offsets(%dma_start3A_495 : memref<128xi32, #tpu.memory_space<vmem>>) semaphore(%arg19 : memref<!tpu.dma_semaphore, #tpu.memory_space<semaphore_mem>>) {add = true}
    }
    %scan3A_464 = arith.constant 32 : i32
    %scan3A_465 = arith.constant 0 : i32
    %scan3A_466 = arith.constant 128 : i32
    %scan3A_467 = arith.addi %scan3A_465, %scan3A_466 : i32
    %scan3A_468 = arith.constant 1 : i32
    scf.for %scan3A_478 = %scan3A_465 to %scan3A_467 step %scan3A_468  : i32 {
      %mul3A_479 = arith.constant 1 : i32
      %mul3A_480 = arith.muli %scan3A_478, %mul3A_479 : i32
      %add3A_481 = arith.constant 0 : i32
      %add3A_482 = arith.addi %add3A_481, %mul3A_480 : i32
      %dma_wait3A_483 = arith.constant 0 : i32
      %dma_wait3A_484 = arith.constant 0 : i32
      %dma_wait3A_485 = tpu.memref_slice %arg12[%dma_wait3A_483, %dma_wait3A_484] : memref<128x128xf32, #tpu.memory_space<vmem>> -> memref<1x128xf32, #tpu.memory_space<vmem>>
      %dma_wait3A_486 = tpu.memref_squeeze %dma_wait3A_485 : memref<1x128xf32, #tpu.memory_space<vmem>> -> memref<128xf32, #tpu.memory_space<vmem>>
      %dma_wait3A_487 = arith.constant 0 : i32
      %dma_wait3A_488 = tpu.memref_slice %arg6[%dma_wait3A_487] : memref<524288xf32, #tpu.memory_space<hbm>> -> memref<128xf32, #tpu.memory_space<hbm>>
      %dma_wait3A_489 = arith.constant 0 : i32
      %dma_wait3A_490 = tpu.memref_slice %arg12[%dma_wait3A_483, %dma_wait3A_489] : memref<128x128xf32, #tpu.memory_space<vmem>> -> memref<1x128xf32, #tpu.memory_space<vmem>>
      %dma_wait3A_491 = tpu.memref_squeeze %dma_wait3A_490 : memref<1x128xf32, #tpu.memory_space<vmem>> -> memref<128xf32, #tpu.memory_space<vmem>>
      %dma_wait3A_492 = arith.constant 0 : i32
      %dma_wait3A_493 = tpu.memref_slice %arg6[%dma_wait3A_492] : memref<524288xf32, #tpu.memory_space<hbm>> -> memref<128xf32, #tpu.memory_space<hbm>>
      tpu.wait_dma2 semaphore(%arg19 : memref<!tpu.dma_semaphore, #tpu.memory_space<semaphore_mem>>) src(%dma_wait3A_493 : memref<128xf32, #tpu.memory_space<hbm>>) dst(%dma_wait3A_491 : memref<128xf32, #tpu.memory_space<vmem>>)
    }
    %scan3A_469 = arith.constant 128 : i32
    %barrier3A_470 = arith.constant 0 : index
    tpu.barrier barrier_id(%barrier3A_470)
    %mul3A_471 = arith.constant 16384 : i32
    %mul3A_472 = arith.muli %arg1, %mul3A_471 : i32
    %mul3A_473 = arith.constant 262144 : i32
    %mul3A_474 = arith.muli %arg0, %mul3A_473 : i32
    %mul3A_475 = arith.constant 16384 : i32
    %mul3A_476 = arith.muli %arg1, %mul3A_475 : i32
    %add3A_477 = arith.addi %mul3A_474, %mul3A_476 : i32
    "tpu.region"() ({
      %run_scoped3A = tpu.sem_alloc : memref<!tpu.dma_semaphore, #tpu.memory_space<semaphore_mem>>
      %dma_start3A_478 = tpu.memref_slice %arg6[%add3A_477] : memref<524288xf32, #tpu.memory_space<hbm>> -> memref<16384xf32, #tpu.memory_space<hbm>>
      %dma_start3A_479 = tpu.memref_slice %arg14[%mul3A_472] : memref<262272xf32, #tpu.memory_space<vmem_shared>> -> memref<16384xf32, #tpu.memory_space<vmem_shared>>
      tpu.enqueue_dma source(%dma_start3A_479 : memref<16384xf32, #tpu.memory_space<vmem_shared>>) target(%dma_start3A_478 : memref<16384xf32, #tpu.memory_space<hbm>>) target_semaphore(%run_scoped3A : memref<!tpu.dma_semaphore, #tpu.memory_space<semaphore_mem>>)
      %dma_wait3A_480 = tpu.memref_slice %arg6[%add3A_477] : memref<524288xf32, #tpu.memory_space<hbm>> -> memref<16384xf32, #tpu.memory_space<hbm>>
      %dma_wait3A_481 = tpu.memref_slice %arg14[%mul3A_472] : memref<262272xf32, #tpu.memory_space<vmem_shared>> -> memref<16384xf32, #tpu.memory_space<vmem_shared>>
      tpu.wait_dma2 semaphore(%run_scoped3A : memref<!tpu.dma_semaphore, #tpu.memory_space<semaphore_mem>>) src(%dma_wait3A_481 : memref<16384xf32, #tpu.memory_space<vmem_shared>>) dst(%dma_wait3A_480 : memref<16384xf32, #tpu.memory_space<hbm>>)
      tpu.yield
    }) : () -> ()
    return
  }
}

module attributes {stable_mosaic.version = 14 : i64} {
  func.func @_conv_body(%arg0: i32, %arg1: memref<1x3x258x258xf32, #tpu.memory_space<vmem>>, %arg2: memref<27xf32, #tpu.memory_space<smem>>, %arg3: memref<1xf32, #tpu.memory_space<smem>>, %arg4: memref<1x256x256xf32, #tpu.memory_space<vmem>>) attributes {dimension_semantics = [#tpu.dimension_semantics<arbitrary>], iteration_bounds = array<i64: 8>, scalar_prefetch = 0 : i64, scratch_operands = 0 : i64, tpu.core_type = #tpu.core_type<tc>, window_params = [{transform_indices = @transform_0, window_bounds = array<i64: 1, 3, 258, 258>}, {transform_indices = @transform_1, window_bounds = array<i64: 27>}, {transform_indices = @transform_2, window_bounds = array<i64: 1>}, {transform_indices = @transform_3, window_bounds = array<i64: 1, 256, 256>}]} {
    %broadcast_in_dim3A = arith.constant 0.000000e+00 : f32
    %broadcast_in_dim3A_0 = vector.broadcast %broadcast_in_dim3A : f32 to vector<256x256xf32>
    %get3A = arith.constant 0 : index
    %get3A_1 = memref.load %arg2[%get3A] : memref<27xf32, #tpu.memory_space<smem>>
    %get3A_2 = arith.constant 0 : index
    %get3A_3 = arith.constant 0 : index
    %get3A_4 = arith.constant 0 : index
    %get3A_5 = arith.constant 0 : index
    %get3A_6 = vector.load %arg1[%get3A_2, %get3A_3, %get3A_4, %get3A_5] : memref<1x3x258x258xf32, #tpu.memory_space<vmem>>, vector<1x1x256x256xf32>
    %get3A_7 = vector.shape_cast %get3A_6 : vector<1x1x256x256xf32> to vector<256x256xf32>
    %mul3A = vector.broadcast %get3A_1 : f32 to vector<256x256xf32>
    %mul3A_8 = arith.mulf %mul3A, %get3A_7 : vector<256x256xf32>
    %add3A = arith.addf %broadcast_in_dim3A_0, %mul3A_8 : vector<256x256xf32>
    %get3A_9 = arith.constant 1 : index
    %get3A_10 = memref.load %arg2[%get3A_9] : memref<27xf32, #tpu.memory_space<smem>>
    %get3A_11 = arith.constant 0 : index
    %get3A_12 = arith.constant 0 : index
    %get3A_13 = arith.constant 0 : index
    %get3A_14 = arith.constant 1 : index
    %get3A_15 = vector.load %arg1[%get3A_11, %get3A_12, %get3A_13, %get3A_14] : memref<1x3x258x258xf32, #tpu.memory_space<vmem>>, vector<1x1x256x256xf32>
    %get3A_16 = vector.shape_cast %get3A_15 : vector<1x1x256x256xf32> to vector<256x256xf32>
    %mul3A_17 = vector.broadcast %get3A_10 : f32 to vector<256x256xf32>
    %mul3A_18 = arith.mulf %mul3A_17, %get3A_16 : vector<256x256xf32>
    %add3A_19 = arith.addf %add3A, %mul3A_18 : vector<256x256xf32>
    %get3A_20 = arith.constant 2 : index
    %get3A_21 = memref.load %arg2[%get3A_20] : memref<27xf32, #tpu.memory_space<smem>>
    %get3A_22 = arith.constant 0 : index
    %get3A_23 = arith.constant 0 : index
    %get3A_24 = arith.constant 0 : index
    %get3A_25 = arith.constant 2 : index
    %get3A_26 = vector.load %arg1[%get3A_22, %get3A_23, %get3A_24, %get3A_25] : memref<1x3x258x258xf32, #tpu.memory_space<vmem>>, vector<1x1x256x256xf32>
    %get3A_27 = vector.shape_cast %get3A_26 : vector<1x1x256x256xf32> to vector<256x256xf32>
    %mul3A_28 = vector.broadcast %get3A_21 : f32 to vector<256x256xf32>
    %mul3A_29 = arith.mulf %mul3A_28, %get3A_27 : vector<256x256xf32>
    %add3A_30 = arith.addf %add3A_19, %mul3A_29 : vector<256x256xf32>
    %get3A_31 = arith.constant 3 : index
    %get3A_32 = memref.load %arg2[%get3A_31] : memref<27xf32, #tpu.memory_space<smem>>
    %get3A_33 = arith.constant 0 : index
    %get3A_34 = arith.constant 0 : index
    %get3A_35 = arith.constant 1 : index
    %get3A_36 = arith.constant 0 : index
    %get3A_37 = vector.load %arg1[%get3A_33, %get3A_34, %get3A_35, %get3A_36] : memref<1x3x258x258xf32, #tpu.memory_space<vmem>>, vector<1x1x256x256xf32>
    %get3A_38 = vector.shape_cast %get3A_37 : vector<1x1x256x256xf32> to vector<256x256xf32>
    %mul3A_39 = vector.broadcast %get3A_32 : f32 to vector<256x256xf32>
    %mul3A_40 = arith.mulf %mul3A_39, %get3A_38 : vector<256x256xf32>
    %add3A_41 = arith.addf %add3A_30, %mul3A_40 : vector<256x256xf32>
    %get3A_42 = arith.constant 4 : index
    %get3A_43 = memref.load %arg2[%get3A_42] : memref<27xf32, #tpu.memory_space<smem>>
    %get3A_44 = arith.constant 0 : index
    %get3A_45 = arith.constant 0 : index
    %get3A_46 = arith.constant 1 : index
    %get3A_47 = arith.constant 1 : index
    %get3A_48 = vector.load %arg1[%get3A_44, %get3A_45, %get3A_46, %get3A_47] : memref<1x3x258x258xf32, #tpu.memory_space<vmem>>, vector<1x1x256x256xf32>
    %get3A_49 = vector.shape_cast %get3A_48 : vector<1x1x256x256xf32> to vector<256x256xf32>
    %mul3A_50 = vector.broadcast %get3A_43 : f32 to vector<256x256xf32>
    %mul3A_51 = arith.mulf %mul3A_50, %get3A_49 : vector<256x256xf32>
    %add3A_52 = arith.addf %add3A_41, %mul3A_51 : vector<256x256xf32>
    %get3A_53 = arith.constant 5 : index
    %get3A_54 = memref.load %arg2[%get3A_53] : memref<27xf32, #tpu.memory_space<smem>>
    %get3A_55 = arith.constant 0 : index
    %get3A_56 = arith.constant 0 : index
    %get3A_57 = arith.constant 1 : index
    %get3A_58 = arith.constant 2 : index
    %get3A_59 = vector.load %arg1[%get3A_55, %get3A_56, %get3A_57, %get3A_58] : memref<1x3x258x258xf32, #tpu.memory_space<vmem>>, vector<1x1x256x256xf32>
    %get3A_60 = vector.shape_cast %get3A_59 : vector<1x1x256x256xf32> to vector<256x256xf32>
    %mul3A_61 = vector.broadcast %get3A_54 : f32 to vector<256x256xf32>
    %mul3A_62 = arith.mulf %mul3A_61, %get3A_60 : vector<256x256xf32>
    %add3A_63 = arith.addf %add3A_52, %mul3A_62 : vector<256x256xf32>
    %get3A_64 = arith.constant 6 : index
    %get3A_65 = memref.load %arg2[%get3A_64] : memref<27xf32, #tpu.memory_space<smem>>
    %get3A_66 = arith.constant 0 : index
    %get3A_67 = arith.constant 0 : index
    %get3A_68 = arith.constant 2 : index
    %get3A_69 = arith.constant 0 : index
    %get3A_70 = vector.load %arg1[%get3A_66, %get3A_67, %get3A_68, %get3A_69] : memref<1x3x258x258xf32, #tpu.memory_space<vmem>>, vector<1x1x256x256xf32>
    %get3A_71 = vector.shape_cast %get3A_70 : vector<1x1x256x256xf32> to vector<256x256xf32>
    %mul3A_72 = vector.broadcast %get3A_65 : f32 to vector<256x256xf32>
    %mul3A_73 = arith.mulf %mul3A_72, %get3A_71 : vector<256x256xf32>
    %add3A_74 = arith.addf %add3A_63, %mul3A_73 : vector<256x256xf32>
    %get3A_75 = arith.constant 7 : index
    %get3A_76 = memref.load %arg2[%get3A_75] : memref<27xf32, #tpu.memory_space<smem>>
    %get3A_77 = arith.constant 0 : index
    %get3A_78 = arith.constant 0 : index
    %get3A_79 = arith.constant 2 : index
    %get3A_80 = arith.constant 1 : index
    %get3A_81 = vector.load %arg1[%get3A_77, %get3A_78, %get3A_79, %get3A_80] : memref<1x3x258x258xf32, #tpu.memory_space<vmem>>, vector<1x1x256x256xf32>
    %get3A_82 = vector.shape_cast %get3A_81 : vector<1x1x256x256xf32> to vector<256x256xf32>
    %mul3A_83 = vector.broadcast %get3A_76 : f32 to vector<256x256xf32>
    %mul3A_84 = arith.mulf %mul3A_83, %get3A_82 : vector<256x256xf32>
    %add3A_85 = arith.addf %add3A_74, %mul3A_84 : vector<256x256xf32>
    %get3A_86 = arith.constant 8 : index
    %get3A_87 = memref.load %arg2[%get3A_86] : memref<27xf32, #tpu.memory_space<smem>>
    %get3A_88 = arith.constant 0 : index
    %get3A_89 = arith.constant 0 : index
    %get3A_90 = arith.constant 2 : index
    %get3A_91 = arith.constant 2 : index
    %get3A_92 = vector.load %arg1[%get3A_88, %get3A_89, %get3A_90, %get3A_91] : memref<1x3x258x258xf32, #tpu.memory_space<vmem>>, vector<1x1x256x256xf32>
    %get3A_93 = vector.shape_cast %get3A_92 : vector<1x1x256x256xf32> to vector<256x256xf32>
    %mul3A_94 = vector.broadcast %get3A_87 : f32 to vector<256x256xf32>
    %mul3A_95 = arith.mulf %mul3A_94, %get3A_93 : vector<256x256xf32>
    %add3A_96 = arith.addf %add3A_85, %mul3A_95 : vector<256x256xf32>
    %get3A_97 = arith.constant 9 : index
    %get3A_98 = memref.load %arg2[%get3A_97] : memref<27xf32, #tpu.memory_space<smem>>
    %get3A_99 = arith.constant 0 : index
    %get3A_100 = arith.constant 1 : index
    %get3A_101 = arith.constant 0 : index
    %get3A_102 = arith.constant 0 : index
    %get3A_103 = vector.load %arg1[%get3A_99, %get3A_100, %get3A_101, %get3A_102] : memref<1x3x258x258xf32, #tpu.memory_space<vmem>>, vector<1x1x256x256xf32>
    %get3A_104 = vector.shape_cast %get3A_103 : vector<1x1x256x256xf32> to vector<256x256xf32>
    %mul3A_105 = vector.broadcast %get3A_98 : f32 to vector<256x256xf32>
    %mul3A_106 = arith.mulf %mul3A_105, %get3A_104 : vector<256x256xf32>
    %add3A_107 = arith.addf %add3A_96, %mul3A_106 : vector<256x256xf32>
    %get3A_108 = arith.constant 10 : index
    %get3A_109 = memref.load %arg2[%get3A_108] : memref<27xf32, #tpu.memory_space<smem>>
    %get3A_110 = arith.constant 0 : index
    %get3A_111 = arith.constant 1 : index
    %get3A_112 = arith.constant 0 : index
    %get3A_113 = arith.constant 1 : index
    %get3A_114 = vector.load %arg1[%get3A_110, %get3A_111, %get3A_112, %get3A_113] : memref<1x3x258x258xf32, #tpu.memory_space<vmem>>, vector<1x1x256x256xf32>
    %get3A_115 = vector.shape_cast %get3A_114 : vector<1x1x256x256xf32> to vector<256x256xf32>
    %mul3A_116 = vector.broadcast %get3A_109 : f32 to vector<256x256xf32>
    %mul3A_117 = arith.mulf %mul3A_116, %get3A_115 : vector<256x256xf32>
    %add3A_118 = arith.addf %add3A_107, %mul3A_117 : vector<256x256xf32>
    %get3A_119 = arith.constant 11 : index
    %get3A_120 = memref.load %arg2[%get3A_119] : memref<27xf32, #tpu.memory_space<smem>>
    %get3A_121 = arith.constant 0 : index
    %get3A_122 = arith.constant 1 : index
    %get3A_123 = arith.constant 0 : index
    %get3A_124 = arith.constant 2 : index
    %get3A_125 = vector.load %arg1[%get3A_121, %get3A_122, %get3A_123, %get3A_124] : memref<1x3x258x258xf32, #tpu.memory_space<vmem>>, vector<1x1x256x256xf32>
    %get3A_126 = vector.shape_cast %get3A_125 : vector<1x1x256x256xf32> to vector<256x256xf32>
    %mul3A_127 = vector.broadcast %get3A_120 : f32 to vector<256x256xf32>
    %mul3A_128 = arith.mulf %mul3A_127, %get3A_126 : vector<256x256xf32>
    %add3A_129 = arith.addf %add3A_118, %mul3A_128 : vector<256x256xf32>
    %get3A_130 = arith.constant 12 : index
    %get3A_131 = memref.load %arg2[%get3A_130] : memref<27xf32, #tpu.memory_space<smem>>
    %get3A_132 = arith.constant 0 : index
    %get3A_133 = arith.constant 1 : index
    %get3A_134 = arith.constant 1 : index
    %get3A_135 = arith.constant 0 : index
    %get3A_136 = vector.load %arg1[%get3A_132, %get3A_133, %get3A_134, %get3A_135] : memref<1x3x258x258xf32, #tpu.memory_space<vmem>>, vector<1x1x256x256xf32>
    %get3A_137 = vector.shape_cast %get3A_136 : vector<1x1x256x256xf32> to vector<256x256xf32>
    %mul3A_138 = vector.broadcast %get3A_131 : f32 to vector<256x256xf32>
    %mul3A_139 = arith.mulf %mul3A_138, %get3A_137 : vector<256x256xf32>
    %add3A_140 = arith.addf %add3A_129, %mul3A_139 : vector<256x256xf32>
    %get3A_141 = arith.constant 13 : index
    %get3A_142 = memref.load %arg2[%get3A_141] : memref<27xf32, #tpu.memory_space<smem>>
    %get3A_143 = arith.constant 0 : index
    %get3A_144 = arith.constant 1 : index
    %get3A_145 = arith.constant 1 : index
    %get3A_146 = arith.constant 1 : index
    %get3A_147 = vector.load %arg1[%get3A_143, %get3A_144, %get3A_145, %get3A_146] : memref<1x3x258x258xf32, #tpu.memory_space<vmem>>, vector<1x1x256x256xf32>
    %get3A_148 = vector.shape_cast %get3A_147 : vector<1x1x256x256xf32> to vector<256x256xf32>
    %mul3A_149 = vector.broadcast %get3A_142 : f32 to vector<256x256xf32>
    %mul3A_150 = arith.mulf %mul3A_149, %get3A_148 : vector<256x256xf32>
    %add3A_151 = arith.addf %add3A_140, %mul3A_150 : vector<256x256xf32>
    %get3A_152 = arith.constant 14 : index
    %get3A_153 = memref.load %arg2[%get3A_152] : memref<27xf32, #tpu.memory_space<smem>>
    %get3A_154 = arith.constant 0 : index
    %get3A_155 = arith.constant 1 : index
    %get3A_156 = arith.constant 1 : index
    %get3A_157 = arith.constant 2 : index
    %get3A_158 = vector.load %arg1[%get3A_154, %get3A_155, %get3A_156, %get3A_157] : memref<1x3x258x258xf32, #tpu.memory_space<vmem>>, vector<1x1x256x256xf32>
    %get3A_159 = vector.shape_cast %get3A_158 : vector<1x1x256x256xf32> to vector<256x256xf32>
    %mul3A_160 = vector.broadcast %get3A_153 : f32 to vector<256x256xf32>
    %mul3A_161 = arith.mulf %mul3A_160, %get3A_159 : vector<256x256xf32>
    %add3A_162 = arith.addf %add3A_151, %mul3A_161 : vector<256x256xf32>
    %get3A_163 = arith.constant 15 : index
    %get3A_164 = memref.load %arg2[%get3A_163] : memref<27xf32, #tpu.memory_space<smem>>
    %get3A_165 = arith.constant 0 : index
    %get3A_166 = arith.constant 1 : index
    %get3A_167 = arith.constant 2 : index
    %get3A_168 = arith.constant 0 : index
    %get3A_169 = vector.load %arg1[%get3A_165, %get3A_166, %get3A_167, %get3A_168] : memref<1x3x258x258xf32, #tpu.memory_space<vmem>>, vector<1x1x256x256xf32>
    %get3A_170 = vector.shape_cast %get3A_169 : vector<1x1x256x256xf32> to vector<256x256xf32>
    %mul3A_171 = vector.broadcast %get3A_164 : f32 to vector<256x256xf32>
    %mul3A_172 = arith.mulf %mul3A_171, %get3A_170 : vector<256x256xf32>
    %add3A_173 = arith.addf %add3A_162, %mul3A_172 : vector<256x256xf32>
    %get3A_174 = arith.constant 16 : index
    %get3A_175 = memref.load %arg2[%get3A_174] : memref<27xf32, #tpu.memory_space<smem>>
    %get3A_176 = arith.constant 0 : index
    %get3A_177 = arith.constant 1 : index
    %get3A_178 = arith.constant 2 : index
    %get3A_179 = arith.constant 1 : index
    %get3A_180 = vector.load %arg1[%get3A_176, %get3A_177, %get3A_178, %get3A_179] : memref<1x3x258x258xf32, #tpu.memory_space<vmem>>, vector<1x1x256x256xf32>
    %get3A_181 = vector.shape_cast %get3A_180 : vector<1x1x256x256xf32> to vector<256x256xf32>
    %mul3A_182 = vector.broadcast %get3A_175 : f32 to vector<256x256xf32>
    %mul3A_183 = arith.mulf %mul3A_182, %get3A_181 : vector<256x256xf32>
    %add3A_184 = arith.addf %add3A_173, %mul3A_183 : vector<256x256xf32>
    %get3A_185 = arith.constant 17 : index
    %get3A_186 = memref.load %arg2[%get3A_185] : memref<27xf32, #tpu.memory_space<smem>>
    %get3A_187 = arith.constant 0 : index
    %get3A_188 = arith.constant 1 : index
    %get3A_189 = arith.constant 2 : index
    %get3A_190 = arith.constant 2 : index
    %get3A_191 = vector.load %arg1[%get3A_187, %get3A_188, %get3A_189, %get3A_190] : memref<1x3x258x258xf32, #tpu.memory_space<vmem>>, vector<1x1x256x256xf32>
    %get3A_192 = vector.shape_cast %get3A_191 : vector<1x1x256x256xf32> to vector<256x256xf32>
    %mul3A_193 = vector.broadcast %get3A_186 : f32 to vector<256x256xf32>
    %mul3A_194 = arith.mulf %mul3A_193, %get3A_192 : vector<256x256xf32>
    %add3A_195 = arith.addf %add3A_184, %mul3A_194 : vector<256x256xf32>
    %get3A_196 = arith.constant 18 : index
    %get3A_197 = memref.load %arg2[%get3A_196] : memref<27xf32, #tpu.memory_space<smem>>
    %get3A_198 = arith.constant 0 : index
    %get3A_199 = arith.constant 2 : index
    %get3A_200 = arith.constant 0 : index
    %get3A_201 = arith.constant 0 : index
    %get3A_202 = vector.load %arg1[%get3A_198, %get3A_199, %get3A_200, %get3A_201] : memref<1x3x258x258xf32, #tpu.memory_space<vmem>>, vector<1x1x256x256xf32>
    %get3A_203 = vector.shape_cast %get3A_202 : vector<1x1x256x256xf32> to vector<256x256xf32>
    %mul3A_204 = vector.broadcast %get3A_197 : f32 to vector<256x256xf32>
    %mul3A_205 = arith.mulf %mul3A_204, %get3A_203 : vector<256x256xf32>
    %add3A_206 = arith.addf %add3A_195, %mul3A_205 : vector<256x256xf32>
    %get3A_207 = arith.constant 19 : index
    %get3A_208 = memref.load %arg2[%get3A_207] : memref<27xf32, #tpu.memory_space<smem>>
    %get3A_209 = arith.constant 0 : index
    %get3A_210 = arith.constant 2 : index
    %get3A_211 = arith.constant 0 : index
    %get3A_212 = arith.constant 1 : index
    %get3A_213 = vector.load %arg1[%get3A_209, %get3A_210, %get3A_211, %get3A_212] : memref<1x3x258x258xf32, #tpu.memory_space<vmem>>, vector<1x1x256x256xf32>
    %get3A_214 = vector.shape_cast %get3A_213 : vector<1x1x256x256xf32> to vector<256x256xf32>
    %mul3A_215 = vector.broadcast %get3A_208 : f32 to vector<256x256xf32>
    %mul3A_216 = arith.mulf %mul3A_215, %get3A_214 : vector<256x256xf32>
    %add3A_217 = arith.addf %add3A_206, %mul3A_216 : vector<256x256xf32>
    %get3A_218 = arith.constant 20 : index
    %get3A_219 = memref.load %arg2[%get3A_218] : memref<27xf32, #tpu.memory_space<smem>>
    %get3A_220 = arith.constant 0 : index
    %get3A_221 = arith.constant 2 : index
    %get3A_222 = arith.constant 0 : index
    %get3A_223 = arith.constant 2 : index
    %get3A_224 = vector.load %arg1[%get3A_220, %get3A_221, %get3A_222, %get3A_223] : memref<1x3x258x258xf32, #tpu.memory_space<vmem>>, vector<1x1x256x256xf32>
    %get3A_225 = vector.shape_cast %get3A_224 : vector<1x1x256x256xf32> to vector<256x256xf32>
    %mul3A_226 = vector.broadcast %get3A_219 : f32 to vector<256x256xf32>
    %mul3A_227 = arith.mulf %mul3A_226, %get3A_225 : vector<256x256xf32>
    %add3A_228 = arith.addf %add3A_217, %mul3A_227 : vector<256x256xf32>
    %get3A_229 = arith.constant 21 : index
    %get3A_230 = memref.load %arg2[%get3A_229] : memref<27xf32, #tpu.memory_space<smem>>
    %get3A_231 = arith.constant 0 : index
    %get3A_232 = arith.constant 2 : index
    %get3A_233 = arith.constant 1 : index
    %get3A_234 = arith.constant 0 : index
    %get3A_235 = vector.load %arg1[%get3A_231, %get3A_232, %get3A_233, %get3A_234] : memref<1x3x258x258xf32, #tpu.memory_space<vmem>>, vector<1x1x256x256xf32>
    %get3A_236 = vector.shape_cast %get3A_235 : vector<1x1x256x256xf32> to vector<256x256xf32>
    %mul3A_237 = vector.broadcast %get3A_230 : f32 to vector<256x256xf32>
    %mul3A_238 = arith.mulf %mul3A_237, %get3A_236 : vector<256x256xf32>
    %add3A_239 = arith.addf %add3A_228, %mul3A_238 : vector<256x256xf32>
    %get3A_240 = arith.constant 22 : index
    %get3A_241 = memref.load %arg2[%get3A_240] : memref<27xf32, #tpu.memory_space<smem>>
    %get3A_242 = arith.constant 0 : index
    %get3A_243 = arith.constant 2 : index
    %get3A_244 = arith.constant 1 : index
    %get3A_245 = arith.constant 1 : index
    %get3A_246 = vector.load %arg1[%get3A_242, %get3A_243, %get3A_244, %get3A_245] : memref<1x3x258x258xf32, #tpu.memory_space<vmem>>, vector<1x1x256x256xf32>
    %get3A_247 = vector.shape_cast %get3A_246 : vector<1x1x256x256xf32> to vector<256x256xf32>
    %mul3A_248 = vector.broadcast %get3A_241 : f32 to vector<256x256xf32>
    %mul3A_249 = arith.mulf %mul3A_248, %get3A_247 : vector<256x256xf32>
    %add3A_250 = arith.addf %add3A_239, %mul3A_249 : vector<256x256xf32>
    %get3A_251 = arith.constant 23 : index
    %get3A_252 = memref.load %arg2[%get3A_251] : memref<27xf32, #tpu.memory_space<smem>>
    %get3A_253 = arith.constant 0 : index
    %get3A_254 = arith.constant 2 : index
    %get3A_255 = arith.constant 1 : index
    %get3A_256 = arith.constant 2 : index
    %get3A_257 = vector.load %arg1[%get3A_253, %get3A_254, %get3A_255, %get3A_256] : memref<1x3x258x258xf32, #tpu.memory_space<vmem>>, vector<1x1x256x256xf32>
    %get3A_258 = vector.shape_cast %get3A_257 : vector<1x1x256x256xf32> to vector<256x256xf32>
    %mul3A_259 = vector.broadcast %get3A_252 : f32 to vector<256x256xf32>
    %mul3A_260 = arith.mulf %mul3A_259, %get3A_258 : vector<256x256xf32>
    %add3A_261 = arith.addf %add3A_250, %mul3A_260 : vector<256x256xf32>
    %get3A_262 = arith.constant 24 : index
    %get3A_263 = memref.load %arg2[%get3A_262] : memref<27xf32, #tpu.memory_space<smem>>
    %get3A_264 = arith.constant 0 : index
    %get3A_265 = arith.constant 2 : index
    %get3A_266 = arith.constant 2 : index
    %get3A_267 = arith.constant 0 : index
    %get3A_268 = vector.load %arg1[%get3A_264, %get3A_265, %get3A_266, %get3A_267] : memref<1x3x258x258xf32, #tpu.memory_space<vmem>>, vector<1x1x256x256xf32>
    %get3A_269 = vector.shape_cast %get3A_268 : vector<1x1x256x256xf32> to vector<256x256xf32>
    %mul3A_270 = vector.broadcast %get3A_263 : f32 to vector<256x256xf32>
    %mul3A_271 = arith.mulf %mul3A_270, %get3A_269 : vector<256x256xf32>
    %add3A_272 = arith.addf %add3A_261, %mul3A_271 : vector<256x256xf32>
    %get3A_273 = arith.constant 25 : index
    %get3A_274 = memref.load %arg2[%get3A_273] : memref<27xf32, #tpu.memory_space<smem>>
    %get3A_275 = arith.constant 0 : index
    %get3A_276 = arith.constant 2 : index
    %get3A_277 = arith.constant 2 : index
    %get3A_278 = arith.constant 1 : index
    %get3A_279 = vector.load %arg1[%get3A_275, %get3A_276, %get3A_277, %get3A_278] : memref<1x3x258x258xf32, #tpu.memory_space<vmem>>, vector<1x1x256x256xf32>
    %get3A_280 = vector.shape_cast %get3A_279 : vector<1x1x256x256xf32> to vector<256x256xf32>
    %mul3A_281 = vector.broadcast %get3A_274 : f32 to vector<256x256xf32>
    %mul3A_282 = arith.mulf %mul3A_281, %get3A_280 : vector<256x256xf32>
    %add3A_283 = arith.addf %add3A_272, %mul3A_282 : vector<256x256xf32>
    %get3A_284 = arith.constant 26 : index
    %get3A_285 = memref.load %arg2[%get3A_284] : memref<27xf32, #tpu.memory_space<smem>>
    %get3A_286 = arith.constant 0 : index
    %get3A_287 = arith.constant 2 : index
    %get3A_288 = arith.constant 2 : index
    %get3A_289 = arith.constant 2 : index
    %get3A_290 = vector.load %arg1[%get3A_286, %get3A_287, %get3A_288, %get3A_289] : memref<1x3x258x258xf32, #tpu.memory_space<vmem>>, vector<1x1x256x256xf32>
    %get3A_291 = vector.shape_cast %get3A_290 : vector<1x1x256x256xf32> to vector<256x256xf32>
    %mul3A_292 = vector.broadcast %get3A_285 : f32 to vector<256x256xf32>
    %mul3A_293 = arith.mulf %mul3A_292, %get3A_291 : vector<256x256xf32>
    %add3A_294 = arith.addf %add3A_283, %mul3A_293 : vector<256x256xf32>
    %get3A_295 = arith.constant 0 : index
    %get3A_296 = memref.load %arg3[%get3A_295] : memref<1xf32, #tpu.memory_space<smem>>
    %add3A_297 = vector.broadcast %get3A_296 : f32 to vector<256x256xf32>
    %add3A_298 = arith.addf %add3A_294, %add3A_297 : vector<256x256xf32>
    %max3A = arith.constant 0.000000e+00 : f32
    %max3A_299 = vector.broadcast %max3A : f32 to vector<256x256xf32>
    %max3A_300 = arith.maximumf %add3A_298, %max3A_299 : vector<256x256xf32>
    %swap3A = arith.constant 0 : index
    %swap3A_301 = arith.constant 0 : index
    %swap3A_302 = arith.constant 0 : index
    %swap3A_303 = vector.load %arg4[%swap3A, %swap3A_301, %swap3A_302] : memref<1x256x256xf32, #tpu.memory_space<vmem>>, vector<1x256x256xf32>
    %swap3A_304 = vector.shape_cast %swap3A_303 : vector<1x256x256xf32> to vector<256x256xf32>
    %swap3A_305 = vector.shape_cast %max3A_300 : vector<256x256xf32> to vector<1x256x256xf32>
    tpu.vector_store %arg4[%swap3A, %swap3A_301, %swap3A_302], %swap3A_305 {strides = array<i32>} : memref<1x256x256xf32, #tpu.memory_space<vmem>>, vector<1x256x256xf32>,
    return
  }
  func.func @transform_0(%arg0: i32) -> (i32, i32, i32, i32) {
    %c0_i32 = arith.constant 0 : i32
    %c0_i32_0 = arith.constant 0 : i32
    %c0_i32_1 = arith.constant 0 : i32
    %c0_i32_2 = arith.constant 0 : i32
    return %arg0, %c0_i32, %c0_i32_0, %c0_i32_1 : i32, i32, i32, i32
  }
  func.func @transform_1(%arg0: i32) -> i32 {
    %c0_i32 = arith.constant 0 : i32
    %c0_i32_0 = arith.constant 0 : i32
    return %c0_i32 : i32
  }
  func.func @transform_2(%arg0: i32) -> i32 {
    %c0_i32 = arith.constant 0 : i32
    %c0_i32_0 = arith.constant 0 : i32
    return %c0_i32 : i32
  }
  func.func @transform_3(%arg0: i32) -> (i32, i32, i32) {
    %c0_i32 = arith.constant 0 : i32
    %c0_i32_0 = arith.constant 0 : i32
    %c0_i32_1 = arith.constant 0 : i32
    return %arg0, %c0_i32, %c0_i32_0 : i32, i32, i32
  }
}

module attributes {stable_mosaic.version = 14 : i64} {
  func.func @_loss_body(%arg0: memref<512x1024xf32, #tpu.memory_space<vmem>>, %arg1: memref<512x1024xf32, #tpu.memory_space<vmem>>, %arg2: memref<1x1xf32, #tpu.memory_space<smem>>) attributes {dimension_semantics = [], scalar_prefetch = 0 : i64, scratch_operands = 0 : i64, tpu.core_type = #tpu.core_type<tc>} {
    %get3A = arith.constant 0 : index
    %get3A_0 = arith.constant 0 : index
    %get3A_1 = vector.load %arg0[%get3A, %get3A_0] : memref<512x1024xf32, #tpu.memory_space<vmem>>, vector<512x1024xf32>
    %get3A_2 = arith.constant 0 : index
    %get3A_3 = arith.constant 0 : index
    %get3A_4 = vector.load %arg1[%get3A_2, %get3A_3] : memref<512x1024xf32, #tpu.memory_space<vmem>>, vector<512x1024xf32>
    %gt3A = arith.constant 0.000000e+00 : f32
    %gt3A_5 = vector.broadcast %gt3A : f32 to vector<512x1024xf32>
    %gt3A_6 = arith.cmpf ogt, %get3A_1, %gt3A_5 : vector<512x1024xf32>
    %convert_element_type3A = arith.extui %gt3A_6 : vector<512x1024xi1> to vector<512x1024xi32>
    %convert_element_type3A_7 = arith.sitofp %convert_element_type3A : vector<512x1024xi32> to vector<512x1024xf32>
    %sub3A = arith.subf %get3A_1, %get3A_4 : vector<512x1024xf32>
    %mul3A = arith.mulf %sub3A, %sub3A : vector<512x1024xf32>
    %mul3A_8 = arith.mulf %mul3A, %convert_element_type3A_7 : vector<512x1024xf32>
    %reduce_sum3A = vector.shape_cast %mul3A_8 : vector<512x1024xf32> to vector<1x512x1024xf32>
    %reduce_sum3A_9 = arith.constant dense<0.000000e+00> : vector<1xf32>
    %reduce_sum3A_10 = vector.multi_reduction <add>, %reduce_sum3A, %reduce_sum3A_9 [1, 2] : vector<1x512x1024xf32> to vector<1xf32>
    %reduce_sum3A_11 = vector.shape_cast %reduce_sum3A_10 : vector<1xf32> to vector<1x1x1xf32>
    %reduce_sum3A_12 = vector.extract %reduce_sum3A_11[0, 0, 0] : f32 from vector<1x1x1xf32>
    %reduce_sum3A_13 = vector.shape_cast %convert_element_type3A_7 : vector<512x1024xf32> to vector<1x512x1024xf32>
    %reduce_sum3A_14 = arith.constant dense<0.000000e+00> : vector<1xf32>
    %reduce_sum3A_15 = vector.multi_reduction <add>, %reduce_sum3A_13, %reduce_sum3A_14 [1, 2] : vector<1x512x1024xf32> to vector<1xf32>
    %reduce_sum3A_16 = vector.shape_cast %reduce_sum3A_15 : vector<1xf32> to vector<1x1x1xf32>
    %reduce_sum3A_17 = vector.extract %reduce_sum3A_16[0, 0, 0] : f32 from vector<1x1x1xf32>
    %max3A = arith.constant 1.000000e+00 : f32
    %max3A_18 = arith.maximumf %reduce_sum3A_17, %max3A : f32
    %div3A = arith.divf %reduce_sum3A_12, %max3A_18 : f32
    %swap3A = arith.constant 0 : index
    %swap3A_19 = arith.constant 0 : index
    %swap3A_20 = memref.load %arg2[%swap3A, %swap3A_19] : memref<1x1xf32, #tpu.memory_space<smem>>
    memref.store %div3A, %arg2[%swap3A, %swap3A_19] : memref<1x1xf32, #tpu.memory_space<smem>>
    return
  }
}

</mosaic_0001>

<sc_bundles>
// kernel: kernel.5.cloned.1.call-start
scs
__scs_entry_jumppad:
0x0: {  	(pc) =	sbr.rel $0x88, $3  }
0x1: {  	(tag) =	ssettag $0x0;
	lr =	simm.s32 $0x1  }
0x2: {  	[smem:$0x3F9C] =	sst lr;
	_ =	strace $0xD0000000  }
0x3: {  	_ = 	snop  }
0x4: {  	_ = 	snop  }
0x5: {  	_ = 	snop  }
0x6: {  	_ = 	snop  }
0x7: {  	_ = 	snop  }
__scs_overlays_trampoline_lowered:
0x8: {  	[smem:$0x3FAB] =	sst s0  }
0x9: {  	[smem:$0x3FAC] =	sst s1  }
0xa: {  	[smem:$0x3FAD] =	sst s2  }
0xb: {  	[smem:$0x3FAE] =	sst s3  }
0xc: {  	[smem:$0x3FAF] =	sst s4  }
0xd: {  	[smem:$0x3FB0] =	sst s5  }
0xe: {  	[smem:$0x3FB1] =	sst s6  }
0xf: {  	[smem:$0x3FB2] =	sst s7  }
0x10: {  	[smem:$0x3FB3] =	sst s8  }
0x11: {  	[smem:$0x3FB4] =	sst s9;
	s0 =	simm.s32 @!p0 $0x0  }
0x12: {  	s1 =	sld [smem:$0x3F9A];
	s0 =	simm.s32 @p0 $0x1  }
0x13: {  	[smem:$0x3FB5] =	sst s0;
	s0 =	simm.s32 @!p1 $0x0  }
0x14: {  	s2 =	sld [smem:$0x3F99];
	s0 =	simm.s32 @p1 $0x1  }
0x15: {  	[smem:$0x3FB6] =	sst s0;
	s0 =	simm.s32 @!p2 $0x0  }
0x16: {  	s3 =	sld [smem:$0x3FDB];
	s0 =	simm.s32 @p2 $0x1  }
0x17: {  	s4 =	simm.s32 $0x1BF5;
	[smem:$0x3FB8] =	sst s0  }
0x18: {  	s0 =	sld [smem:$0x3F9B];
	_ =	swait.ge [sflag:s4], $0x0  }
0x19: {  	s7 =	sld [smem:$0x3F9C]  }
0x1a: {  	s8 =	sadd.s32 $0xFFFFE003, lr  }
0x1b: {  	s9 =	sadd.s32 $0xFFFFFEF7, lr;
	s5 =	simm.s32 $0xFFFFFFFF;
	p2 =	slt.u32 s8, $0xFFFFF086  }
0x1c: {  	p1 =	slt.u32 s9, $0xF7A;
	s5 =	simm.s32 @!p2 $0x0  }
0x1d: {  	s5 =	simm.s32 @p1 $0x1;
	p0 =	seq.s32 s7, s2  }
0x1e: {  	s7 =	smul.u32 @!p0 $0xF7A, s2;
	p2 =	seq.s32 @!p0 s5, $0x0  }
0x1f: {  	s9 =	smul.u32 $0xF7A, s1;
	s8 =	simm.s32 @!p0 $0x1BF5;
	p2 =	por !p2, p0  }
0x20: {  	[sflag:s8] =	ssyncset.s32 @!p0 $0xFFFFF086;
	s6 =	sadd.s32 @!p0 s3, s7;
	s7 =	simm.s32 @!p0 $0x108  }
0x21: {  	s3 =	sadd.s32 s3, s9;
	s6 =	sadd.s32 @!p0 $0x88, s6;
	s7 =	simm.s32 @p2 $0x1082  }
0x22: {  	[simem:s7], [sflag:s8] =	dma.local @!p0 [hbm:s6], $0xF7A  }
0x23: {  	s9 =	sor.u32 $0xD0000000, s2;
	s6 =	simm.s32 $0x108;
	_ =	swait.ge @!p0 [sflag:s8], $0x0  }
0x24: {  	s3 =	sadd.s32 $0x88, s3;
	s6 =	simm.s32 @!p1 $0x1082;
	[sflag:s4] =	ssyncset.s32 $0xFFFFF086  }
0x25: {  	[simem:s6], [sflag:s4] =	dma.local [hbm:s3], $0xF7A  }
0x26: {  	[smem:$0x3F9C] =	sst s1;
	(tag) =	ssettag s2;
	_ =	strace s9  }
0x27: {  	s1 =	sld [smem:$0x3FAC]  }
0x28: {  	s2 =	sld [smem:$0x3FAD]  }
0x29: {  	s4 =	sld [smem:$0x3FAF]  }
0x2a: {  	p0 =	seq.s32 s5, $0x0;
	s5 =	sld [smem:$0x3FB0]  }
0x2b: {  	s6 =	sld [smem:$0x3FB1]  }
0x2c: {  	s7 =	sld [smem:$0x3FB2]  }
0x2d: {  	s3 =	simm.s32 $0x108;
	s8 =	sld [smem:$0x3FB3]  }
0x2e: {  	s3 =	simm.s32 @!p0 $0x1082;
	s9 =	sld [smem:$0x3FB4]  }
0x2f: {  	lr =	sadd.s32 s0, s3;
	s0 =	sld [smem:$0x3FAB]  }
0x30: {  	s3 =	sld [smem:$0x3FAE]  }
0x31: {  	[smem:$0x3FB7] =	sst s10  }
0x32: {  	s10 =	sld [smem:$0x3FB5];
	_ =	sdelay $0x3  }
0x33: {  	p0 =	seq.s32 s10, $0x1;
	s10 =	sld [smem:$0x3FB7];
	_ =	sdelay $0x3  }
0x34: {  	[smem:$0x3FB7] =	sst s10  }
0x35: {  	s10 =	sld [smem:$0x3FB6];
	_ =	sdelay $0x3  }
0x36: {  	p1 =	seq.s32 s10, $0x1;
	s10 =	sld [smem:$0x3FB7];
	_ =	sdelay $0x3  }
0x37: {  	[smem:$0x3FB7] =	sst s10  }
0x38: {  	s10 =	sld [smem:$0x3FB8]  }
0x39: {  	_ = 	snop;
	(pc) =	sbr.ind lr, $3  }
0x3a: {  	_ = 	snop  }
0x3b: {  	_ = 	snop  }
0x3c: {  	p2 =	seq.s32 s10, $0x1;
	s10 =	sld [smem:$0x3FB7]  }
0x3d: {  	_ =	shalt  }
0x3e: {  	_ =	shalt  }
0x3f: {  	_ =	shalt  }
0x40: {  	_ =	shalt  }
0x41: {  	_ =	shalt  }
0x42: {  	_ =	shalt  }
0x43: {  	_ =	shalt  }
0x44: {  	_ =	shalt  }
0x45: {  	_ =	shalt  }
0x46: {  	_ =	shalt  }
0x47: {  	_ =	shalt  }
0x48: {  	_ =	shalt  }
0x49: {  	_ =	shalt  }
0x4a: {  	_ =	shalt  }
0x4b: {  	_ =	shalt  }
0x4c: {  	_ =	shalt  }
0x4d: {  	_ =	shalt  }
0x4e: {  	_ =	shalt  }
0x4f: {  	_ =	shalt  }
0x50: {  	_ =	shalt  }
0x51: {  	_ =	shalt  }
0x52: {  	_ =	shalt  }
0x53: {  	_ =	shalt  }
0x54: {  	_ =	shalt  }
0x55: {  	_ =	shalt  }
0x56: {  	_ =	shalt  }
0x57: {  	_ =	shalt  }
0x58: {  	_ =	shalt  }
0x59: {  	_ =	shalt  }
0x5a: {  	_ =	shalt  }
0x5b: {  	_ =	shalt  }
0x5c: {  	_ =	shalt  }
0x5d: {  	_ =	shalt  }
0x5e: {  	_ =	shalt  }
0x5f: {  	_ =	shalt  }
0x60: {  	_ =	shalt  }
0x61: {  	_ =	shalt  }
0x62: {  	_ =	shalt  }
0x63: {  	_ =	shalt  }
0x64: {  	_ =	shalt  }
0x65: {  	_ =	shalt  }
0x66: {  	_ =	shalt  }
0x67: {  	_ =	shalt  }
0x68: {  	_ =	shalt  }
0x69: {  	_ =	shalt  }
0x6a: {  	_ =	shalt  }
0x6b: {  	_ =	shalt  }
0x6c: {  	_ =	shalt  }
0x6d: {  	_ =	shalt  }
0x6e: {  	_ =	shalt  }
0x6f: {  	_ =	shalt  }
0x70: {  	_ =	shalt  }
0x71: {  	_ =	shalt  }
0x72: {  	_ =	shalt  }
0x73: {  	_ =	shalt  }
0x74: {  	_ =	shalt  }
0x75: {  	_ =	shalt  }
0x76: {  	_ =	shalt  }
0x77: {  	_ =	shalt  }
0x78: {  	_ =	shalt  }
0x79: {  	_ =	shalt  }
0x7a: {  	_ =	shalt  }
0x7b: {  	_ =	shalt  }
0x7c: {  	_ =	shalt  }
0x7d: {  	_ =	shalt  }
0x7e: {  	_ =	shalt  }
0x7f: {  	_ =	shalt  }
0x80: {  	_ =	shalt  }
0x81: {  	_ =	shalt  }
0x82: {  	_ =	shalt  }
0x83: {  	_ =	shalt  }
0x84: {  	_ =	shalt  }
0x85: {  	_ =	shalt  }
0x86: {  	_ =	shalt  }
0x87: {  	_ =	shalt  }
.Lfunc_end0:
.L_simem_size_0:
called_computation_lowered:
.L_overlay_start_0:
0x88: {  	s2 =	sld [smem:$0x3FD9]  }
0x89: {  	s3 =	sld [smem:$0x3FFE];
	_ =	sdelay $0x1  }
0x8a: {  	s1 =	srdreg.scid  }
0x8b: {  	s0 =	sand.u32 $0x1, s1  }
0x8c: {  	s16 =	sshll.u32 s0, $0xA;
	s2 =	sadd.s32 s3, s2  }
0x8d: {  	s2 =	sadd.s32 s2, s16  }
0x8e: {  	[smem:$0x3FC3] =	sst s2  }
0x8f: {  	_ = 	snop  }
0x90: {  	(tm) =	ssettm $0x1  }
0x91: {  	s17 =	sld [smem:$0x3FFB];
	_ =	sdelay $0x3  }
0x92: {  	_ =	strace s17  }
0x93: {  	s2 =	sld [smem:$0x3FFC];
	_ =	sdelay $0x3  }
0x94: {  	_ =	strace s2  }
0x95: {  	s2 =	sld [smem:$0x3FFD];
	_ =	sdelay $0x3  }
0x96: {  	_ =	strace s2  }
0x97: {  	_ =	strace $0x8FFFFFFF  }
0x98: {  	s18 =	sld [smem:$0x3FDB];
	_ =	sdelay $0x1  }
0x99: {  	s19 =	simm.s32 $_scs_section_size  }
0x9a: {  	s4 =	simm.s32 $_size__tile_overlayer_lowered;
	s5 =	simm.s32 $_tile_overlayer_lowered  }
0x9b: {  	s22 =	simm.s32 $0x1BFF;
	s21 =	sshll.u32 s5, $0x1;
	s2 =	sadd.s32 s19, s18  }
0x9c: {  	s6 =	simm.s32 $0x0;
	s20 =	sshll.u32 s4, $0x1;
	s4 =	sadd.s32 s21, s2  }
0x9d: {  	[timem:s6], [sflag:s22] =	dma.local [hbm:s4], s20  }
0x9e: {  	_ =	swait.ge [sflag:s22], s20  }
0x9f: {  	s3 =	ssub.s32 $0x0, s20;
	[sflag:s22] =	ssyncset.done $0x0  }
0xa0: {  	[sflag:s22] =	ssyncadd.s32 s3;
	_ =	sdelay $0x1  }
0xa1: {  	s23 =	simm.s32 $0x1B8B  }
0xa2: {  	_ =	swait.ge [sflag:s23], $0x1  }
0xa3: {  	[sflag:s23] =	ssyncset.done $0x0  }
0xa4: {  	s25 =	simm.s32 $0x1B8E;
	s24 =	sld [smem:$0x3FFE];
	[sflag:s23] =	ssyncadd.s32 $0xFFFFFFFF  }
0xa5: {  	s26 =	simm.s32 $execute0_lowered;
	[smem:$0x3FD2] =	sst s25  }
0xa6: {  	s4 =	sshll.u32 s26, $0x1;
	_ =	strace $0x80000046;
	[dreg:$0x1] =	wrdreg $0xFFFFFFFF  }
0xa7: {  	s28 =	simm.s32 $_size_execute0_lowered;
	s2 =	sadd.s32 s2, s4;
	[dreg:$0x0] =	wrdreg $0x0  }
0xa8: {  	s4 =	sshll.u32 s28, $0x1;
	[dreg:$0x2] =	wrdreg s2  }
0xa9: {  	[dreg:$0x3] =	wrdreg s4  }
0xaa: {  	[dreg:$0x4] =	wrdreg $0xC0  }
0xab: {  	_ =	task [dreg:s6], $0x5FFFF  }
0xac: {  	[dreg:$0x1] =	wrdreg $0xFFFFFFFF  }
0xad: {  	[dreg:$0x0] =	wrdreg $0x60  }
0xae: {  	[dreg:$0x2] =	wrdreg s24  }
0xaf: {  	[dreg:$0x3] =	wrdreg $0x190000  }
0xb0: {  	[dreg:$0x4] =	wrdreg $0x9  }
0xb1: {  	_ =	task.clear_ibuf [dreg:s6], $0x5FFFF;
	_ =	strace $0x90000046  }
0xb2: {  	s29 =	simm.s32 $0x9;
	_ =	strace $0x80000048  }
0xb3: {  	_ =	swait.ge [sflag:s29], $0x1  }
0xb4: {  	[sflag:s29] =	ssyncadd.s32 $0xFFFFFFFF  }
0xb5: {  	_ =	strace $0x90000048  }
0xb6: {  	_ =	sfence  }
0xb7: {  	s30 =	sld [smem:$0x0];
	_ =	sdelay $0x2  }
0xb8: {  	s31 =	sshll.u32 s1, $0xD;
	s1 =	sshrl.u32 s1, $0x2  }
0xb9: {  	s3 =	sand.u32 $0x4000, s31;
	s1 =	sadd.s32 s1, s30  }
0xba: {  	s0 =	sor.u32 s3, s0;
	s1 =	sshll.u32 s1, $0x11  }
0xbb: {  	s0 =	sor.u32 s1, s0  }
0xbc: {  	s0 =	sadd.s32 $0x8F2B, s0  }
0xbd: {  	[sflag:s0] =	ssyncadd.remote.s32 $0x1  }
0xbe: {  	_ =	sfence.sel $0xFFFF  }
0xbf: {  	[dreg:$0x0] =	wrdreg $0xFFFFFFFF;
	(pc) =	sbr.abs _section_cstart, $3  }
0xc0: {  	[dreg:$0x1] =	wrdreg $0xFFFFFFFF  }
0xc1: {  	_ =	task.clear_ibuf [dreg:s6], $0x2FFFF;
	_ =	strace $0x9FFFFFFF  }
0xc2: {  	(tm) =	ssettm $0x7FFFFFFF  }
0xc3: {  	_ =	shalt  }
tec
execute0_lowered:
.L_overlay_start_1:
0x0: {  	(tag) =	ssettag $0x1  }
0x1: {  	s0 =	rddreg [dreg:$0x0]  }
0x2: {  	s1 =	rddreg [dreg:$0x1];
	s2 =	simm.s32 $0x0;
	s3 =	srdreg.scid  }
0x3: {  	s24 =	stileid.u32;
	s31 =	simm.s32 $0x80;
	[smem:$0x7FF] =	sst s2  }
0x4: {  	s3 =	sand.u32 $0x1, s3;
	s16 =	sadd.s32 $0x30C00, s0;
	s18 =	sshll.u32 s24, $0xE  }
0x5: {  	s17 =	sadd.s32 $0x20C00, s0;
	s19 =	sadd.s32 $0x10C00, s0;
	s20 =	sadd.s32 $0xC00, s0  }
0x6: {  	s6 =	sshrl.u32 s24, $0x2;
	s7 =	sshll.u32 s24, $0x3;
	p0 =	sne.s32 s24, $0x0  }
0x7: {  	s30 =	sadd.s32 $0x40000, s1;
	s24 =	simm.s32 $0x6;
	_ =	strace $0x80000047  }
0x8: {  	s4 =	sshll.u32 s3, $0x12;
	s5 =	ssub.s32 $0x2, s3;
	s3 =	sshll.u32 s3, $0x6  }
0x9: {  	s14 =	sshll.u32 s6, $0x4;
	s15 =	sand.u32 $0xC000, s18;
	s22 =	sshll.u32 s6, $0x10  }
0xa: {  	s23 =	sor.u32 $0x40000, s7;
	s25 =	sadd.s32 s18, s1;
	[dreg:$0x9] =	wrdreg s30  }
0xb: {  	s4 =	sor.u32 s18, s4;
	s13 =	sshrl.u32 s5, $0x1;
	s3 =	sor.u32 s3, s14  }
0xc: {  	s18 =	sadd.s32 $0x1000, s25;
	s28 =	sadd.s32 $0x2000, s25;
	[dreg:$0x3] =	wrdreg s25  }
0xd: {  	s29 =	sadd.s32 $0x3000, s25;
	v0 =	vmov s22;
	s22 =	simm.s32 $0x5;
	[dreg:$0x4] =	wrdreg s18  }
0xe: {  	s4 =	sshrl.u32 s4, $0x3;
	s21 =	ssub.s32 s5, s13;
	[dreg:$0x7] =	wrdreg s28  }
0xf: {  	s3 =	sor.u32 s15, s3;
	[dreg:$0x8] =	wrdreg s29;
	s0 =	sadd.s32 s4, s0  }
0x10: {  	s4 =	sadd.s32 s16, s3;
	s5 =	sadd.s32 s17, s3;
	s11 =	sor.u32 $0x1000, s3  }
0x11: {  	s6 =	sadd.s32 s19, s3;
	s7 =	sadd.s32 s20, s3;
	s15 =	sor.u32 $0x2000, s3  }
0x12: {  	s3 =	sor.u32 $0x3000, s3;
	s26 =	smax.u32 s21, $0x1;
	s8 =	sadd.s32 s16, s11  }
0x13: {  	s9 =	sadd.s32 s17, s11;
	s10 =	sadd.s32 s19, s11;
	s11 =	sadd.s32 s20, s11  }
0x14: {  	s12 =	sadd.s32 s16, s15;
	s13 =	sadd.s32 s17, s15;
	s14 =	sadd.s32 s19, s15  }
0x15: {  	s15 =	sadd.s32 s20, s15;
	s16 =	sadd.s32 s16, s3;
	s17 =	sadd.s32 s17, s3  }
0x16: {  	s19 =	sadd.s32 s19, s3;
	s0 =	sadd.s32 $0x40C00, s0;
	[dreg:$0x6] =	wrdreg s26  }
0x17: {  	v2 =	vimm.f32 $0.0e+00;
	v1 =	vmov s23;
	s20 =	sadd.s32 s20, s3;
	s3 =	simm.s32 $0x0;
	[dreg:$0x5] =	wrdreg s0  }
.LBB2_1:
0x18: {  	[dreg:$0xa] =	wrdreg s3;
	s0 =	simm.s32 $0x80  }
0x19: {  	s21 =	sadd.s32 $0x0, s4;
	s3 =	simm.s32 $0x200;
	s18 =	simm.s32 $0x0  }
.LBB2_2:
0x1a: {  	[tilespmem:s18], [sflag:$0x1] =	stream.linear.gather [hbm4b:s21+s2], $0x80, $0x38;
	[tilespmem:$0x1D008] =	vst v63  }
0x1b: {  	s21 =	smov.u32 s0;
	s18 =	smov.u32 s3;
	p1 =	sne.s32 s0, $0xF80  }
.Ltmp0:
0x1c: {  	s0 =	sadd.s32 $0x80, s0;
	(pc) =	sbr.rel @p1 .LBB2_2-.Ltmp0, $2  }
0x1d: {  	_ =	sdelay $0x2  }
0x1e: {  	s3 =	sadd.s32 $0x200, s3;
	s21 =	sadd.s32 s21, s4  }
0x1f: {  	[tilespmem:s18], [sflag:$0x1] =	stream.linear.gather [hbm4b:s21+s2], $0x80, $0x38;
	[tilespmem:$0x1D008] =	vst v63  }
0x20: {  	s0 =	simm.s32 $0x4000  }
0x21: {  	s3 =	simm.s32 $0x80;
	s21 =	sadd.s32 $0x0, s5;
	s18 =	simm.s32 $0x4200  }
.LBB2_4:
0x22: {  	[tilespmem:s0], [sflag:$0x1] =	stream.linear.gather [hbm4b:s21+s2], $0x80, $0x38;
	[tilespmem:$0x1D008] =	vst v63  }
0x23: {  	s21 =	smov.u32 s3;
	s0 =	smov.u32 s18;
	p1 =	sne.s32 s3, $0xF80  }
.Ltmp1:
0x24: {  	s3 =	sadd.s32 $0x80, s3;
	(pc) =	sbr.rel @p1 .LBB2_4-.Ltmp1, $2  }
0x25: {  	_ =	sdelay $0x2  }
0x26: {  	s18 =	sadd.s32 $0x200, s18;
	s21 =	sadd.s32 s21, s5  }
0x27: {  	[tilespmem:s0], [sflag:$0x1] =	stream.linear.gather [hbm4b:s21+s2], $0x80, $0x38;
	[tilespmem:$0x1D008] =	vst v63  }
0x28: {  	s0 =	simm.s32 $0x8000  }
0x29: {  	s3 =	simm.s32 $0x80;
	s21 =	sadd.s32 $0x0, s6;
	s18 =	simm.s32 $0x8200  }
.LBB2_6:
0x2a: {  	[tilespmem:s0], [sflag:$0x1] =	stream.linear.gather [hbm4b:s21+s2], $0x80, $0x38;
	[tilespmem:$0x1D008] =	vst v63  }
0x2b: {  	s21 =	smov.u32 s3;
	s0 =	smov.u32 s18;
	p1 =	sne.s32 s3, $0xF80  }
.Ltmp2:
0x2c: {  	s3 =	sadd.s32 $0x80, s3;
	(pc) =	sbr.rel @p1 .LBB2_6-.Ltmp2, $2  }
0x2d: {  	_ =	sdelay $0x2  }
0x2e: {  	s18 =	sadd.s32 $0x200, s18;
	s21 =	sadd.s32 s21, s6  }
0x2f: {  	[tilespmem:s0], [sflag:$0x1] =	stream.linear.gather [hbm4b:s21+s2], $0x80, $0x38;
	[tilespmem:$0x1D008] =	vst v63  }
0x30: {  	s0 =	simm.s32 $0xC000  }
0x31: {  	s3 =	simm.s32 $0x80;
	s21 =	sadd.s32 $0x0, s7;
	s18 =	simm.s32 $0xC200  }
.LBB2_8:
0x32: {  	[tilespmem:s0], [sflag:$0x1] =	stream.linear.gather [hbm4b:s21+s2], $0x80, $0x38;
	[tilespmem:$0x1D008] =	vst v63  }
0x33: {  	s21 =	smov.u32 s3;
	s0 =	smov.u32 s18;
	p1 =	sne.s32 s3, $0xF80  }
.Ltmp3:
0x34: {  	s3 =	sadd.s32 $0x80, s3;
	(pc) =	sbr.rel @p1 .LBB2_8-.Ltmp3, $2  }
0x35: {  	_ =	sdelay $0x2  }
0x36: {  	s18 =	sadd.s32 $0x200, s18;
	s21 =	sadd.s32 s21, s7  }
0x37: {  	[tilespmem:s0], [sflag:$0x1] =	stream.linear.gather [hbm4b:s21+s2], $0x80, $0x38;
	[tilespmem:$0x1D008] =	vst v63  }
0x38: {  	s0 =	simm.s32 $0x80  }
0x39: {  	s3 =	simm.s32 $0x80;
	s21 =	sadd.s32 $0x0, s8;
	s18 =	simm.s32 $0x280  }
.LBB2_10:
0x3a: {  	[tilespmem:s0], [sflag:$0x2] =	stream.linear.gather [hbm4b:s21+s2], $0x80, $0x38;
	[tilespmem:$0x1D008] =	vst v63  }
0x3b: {  	s21 =	smov.u32 s3;
	s0 =	smov.u32 s18;
	p1 =	sne.s32 s3, $0xF80  }
.Ltmp4:
0x3c: {  	s3 =	sadd.s32 $0x80, s3;
	(pc) =	sbr.rel @p1 .LBB2_10-.Ltmp4, $2  }
0x3d: {  	_ =	sdelay $0x2  }
0x3e: {  	s18 =	sadd.s32 $0x200, s18;
	s21 =	sadd.s32 s21, s8  }
0x3f: {  	[tilespmem:s0], [sflag:$0x2] =	stream.linear.gather [hbm4b:s21+s2], $0x80, $0x38;
	[tilespmem:$0x1D008] =	vst v63  }
0x40: {  	s0 =	simm.s32 $0x4080  }
0x41: {  	s3 =	simm.s32 $0x80;
	s21 =	sadd.s32 $0x0, s9;
	s18 =	simm.s32 $0x4280  }
.LBB2_12:
0x42: {  	[tilespmem:s0], [sflag:$0x2] =	stream.linear.gather [hbm4b:s21+s2], $0x80, $0x38;
	[tilespmem:$0x1D008] =	vst v63  }
0x43: {  	s21 =	smov.u32 s3;
	s0 =	smov.u32 s18;
	p1 =	sne.s32 s3, $0xF80  }
.Ltmp5:
0x44: {  	s3 =	sadd.s32 $0x80, s3;
	(pc) =	sbr.rel @p1 .LBB2_12-.Ltmp5, $2  }
0x45: {  	_ =	sdelay $0x2  }
0x46: {  	s18 =	sadd.s32 $0x200, s18;
	s21 =	sadd.s32 s21, s9  }
0x47: {  	[tilespmem:s0], [sflag:$0x2] =	stream.linear.gather [hbm4b:s21+s2], $0x80, $0x38;
	[tilespmem:$0x1D008] =	vst v63  }
0x48: {  	s0 =	simm.s32 $0x8080  }
0x49: {  	s3 =	simm.s32 $0x80;
	s21 =	sadd.s32 $0x0, s10;
	s18 =	simm.s32 $0x8280  }
.LBB2_14:
0x4a: {  	[tilespmem:s0], [sflag:$0x2] =	stream.linear.gather [hbm4b:s21+s2], $0x80, $0x38;
	[tilespmem:$0x1D008] =	vst v63  }
0x4b: {  	s21 =	smov.u32 s3;
	s0 =	smov.u32 s18;
	p1 =	sne.s32 s3, $0xF80  }
.Ltmp6:
0x4c: {  	s3 =	sadd.s32 $0x80, s3;
	(pc) =	sbr.rel @p1 .LBB2_14-.Ltmp6, $2  }
0x4d: {  	_ =	sdelay $0x2  }
0x4e: {  	s18 =	sadd.s32 $0x200, s18;
	s21 =	sadd.s32 s21, s10  }
0x4f: {  	[tilespmem:s0], [sflag:$0x2] =	stream.linear.gather [hbm4b:s21+s2], $0x80, $0x38;
	[tilespmem:$0x1D008] =	vst v63  }
0x50: {  	s0 =	simm.s32 $0xC080  }
0x51: {  	s3 =	simm.s32 $0x80;
	s21 =	sadd.s32 $0x0, s11;
	s18 =	simm.s32 $0xC280  }
.LBB2_16:
0x52: {  	[tilespmem:s0], [sflag:$0x2] =	stream.linear.gather [hbm4b:s21+s2], $0x80, $0x38;
	[tilespmem:$0x1D008] =	vst v63  }
0x53: {  	s21 =	smov.u32 s3;
	s0 =	smov.u32 s18;
	p1 =	sne.s32 s3, $0xF80  }
.Ltmp7:
0x54: {  	s3 =	sadd.s32 $0x80, s3;
	(pc) =	sbr.rel @p1 .LBB2_16-.Ltmp7, $2  }
0x55: {  	_ =	sdelay $0x2  }
0x56: {  	s18 =	sadd.s32 $0x200, s18;
	s21 =	sadd.s32 s21, s11  }
0x57: {  	[tilespmem:s0], [sflag:$0x2] =	stream.linear.gather [hbm4b:s21+s2], $0x80, $0x38;
	[tilespmem:$0x1D008] =	vst v63  }
0x58: {  	s0 =	simm.s32 $0x100  }
0x59: {  	s3 =	simm.s32 $0x80;
	s21 =	sadd.s32 $0x0, s12;
	s18 =	simm.s32 $0x300  }
.LBB2_18:
0x5a: {  	[tilespmem:s0], [sflag:$0x3] =	stream.linear.gather [hbm4b:s21+s2], $0x80, $0x38;
	[tilespmem:$0x1D008] =	vst v63  }
0x5b: {  	s21 =	smov.u32 s3;
	s0 =	smov.u32 s18;
	p1 =	sne.s32 s3, $0xF80  }
.Ltmp8:
0x5c: {  	s3 =	sadd.s32 $0x80, s3;
	(pc) =	sbr.rel @p1 .LBB2_18-.Ltmp8, $2  }
0x5d: {  	_ =	sdelay $0x2  }
0x5e: {  	s18 =	sadd.s32 $0x200, s18;
	s21 =	sadd.s32 s21, s12  }
0x5f: {  	[tilespmem:s0], [sflag:$0x3] =	stream.linear.gather [hbm4b:s21+s2], $0x80, $0x38;
	[tilespmem:$0x1D008] =	vst v63  }
0x60: {  	s0 =	simm.s32 $0x4100  }
0x61: {  	s3 =	simm.s32 $0x80;
	s21 =	sadd.s32 $0x0, s13;
	s18 =	simm.s32 $0x4300  }
.LBB2_20:
0x62: {  	[tilespmem:s0], [sflag:$0x3] =	stream.linear.gather [hbm4b:s21+s2], $0x80, $0x38;
	[tilespmem:$0x1D008] =	vst v63  }
0x63: {  	s21 =	smov.u32 s3;
	s0 =	smov.u32 s18;
	p1 =	sne.s32 s3, $0xF80  }
.Ltmp9:
0x64: {  	s3 =	sadd.s32 $0x80, s3;
	(pc) =	sbr.rel @p1 .LBB2_20-.Ltmp9, $2  }
0x65: {  	_ =	sdelay $0x2  }
0x66: {  	s18 =	sadd.s32 $0x200, s18;
	s21 =	sadd.s32 s21, s13  }
0x67: {  	[tilespmem:s0], [sflag:$0x3] =	stream.linear.gather [hbm4b:s21+s2], $0x80, $0x38;
	[tilespmem:$0x1D008] =	vst v63  }
0x68: {  	s0 =	simm.s32 $0x8100  }
0x69: {  	s3 =	simm.s32 $0x80;
	s21 =	sadd.s32 $0x0, s14;
	s18 =	simm.s32 $0x8300  }
.LBB2_22:
0x6a: {  	[tilespmem:s0], [sflag:$0x3] =	stream.linear.gather [hbm4b:s21+s2], $0x80, $0x38;
	[tilespmem:$0x1D008] =	vst v63  }
0x6b: {  	s21 =	smov.u32 s3;
	s0 =	smov.u32 s18;
	p1 =	sne.s32 s3, $0xF80  }
.Ltmp10:
0x6c: {  	s3 =	sadd.s32 $0x80, s3;
	(pc) =	sbr.rel @p1 .LBB2_22-.Ltmp10, $2  }
0x6d: {  	_ =	sdelay $0x2  }
0x6e: {  	s18 =	sadd.s32 $0x200, s18;
	s21 =	sadd.s32 s21, s14  }
0x6f: {  	[tilespmem:s0], [sflag:$0x3] =	stream.linear.gather [hbm4b:s21+s2], $0x80, $0x38;
	[tilespmem:$0x1D008] =	vst v63  }
0x70: {  	s0 =	simm.s32 $0xC100  }
0x71: {  	s3 =	simm.s32 $0x80;
	s21 =	sadd.s32 $0x0, s15;
	s18 =	simm.s32 $0xC300  }
.LBB2_24:
0x72: {  	[tilespmem:s0], [sflag:$0x3] =	stream.linear.gather [hbm4b:s21+s2], $0x80, $0x38;
	[tilespmem:$0x1D008] =	vst v63  }
0x73: {  	s21 =	smov.u32 s3;
	s0 =	smov.u32 s18;
	p1 =	sne.s32 s3, $0xF80  }
.Ltmp11:
0x74: {  	s3 =	sadd.s32 $0x80, s3;
	(pc) =	sbr.rel @p1 .LBB2_24-.Ltmp11, $2  }
0x75: {  	_ =	sdelay $0x2  }
0x76: {  	s18 =	sadd.s32 $0x200, s18;
	s21 =	sadd.s32 s21, s15  }
0x77: {  	[tilespmem:s0], [sflag:$0x3] =	stream.linear.gather [hbm4b:s21+s2], $0x80, $0x38;
	[tilespmem:$0x1D008] =	vst v63  }
0x78: {  	s0 =	simm.s32 $0x180  }
0x79: {  	s3 =	simm.s32 $0x80;
	s21 =	sadd.s32 $0x0, s16;
	s18 =	simm.s32 $0x380  }
.LBB2_26:
0x7a: {  	[tilespmem:s0], [sflag:$0x4] =	stream.linear.gather [hbm4b:s21+s2], $0x80, $0x38;
	[tilespmem:$0x1D008] =	vst v63  }
0x7b: {  	s21 =	smov.u32 s3;
	s0 =	smov.u32 s18;
	p1 =	sne.s32 s3, $0xF80  }
.Ltmp12:
0x7c: {  	s3 =	sadd.s32 $0x80, s3;
	(pc) =	sbr.rel @p1 .LBB2_26-.Ltmp12, $2  }
0x7d: {  	_ =	sdelay $0x2  }
0x7e: {  	s18 =	sadd.s32 $0x200, s18;
	s21 =	sadd.s32 s21, s16  }
0x7f: {  	[tilespmem:s0], [sflag:$0x4] =	stream.linear.gather [hbm4b:s21+s2], $0x80, $0x38;
	[tilespmem:$0x1D008] =	vst v63  }
0x80: {  	s0 =	simm.s32 $0x4180  }
0x81: {  	s3 =	simm.s32 $0x80;
	s21 =	sadd.s32 $0x0, s17;
	s18 =	simm.s32 $0x4380  }
.LBB2_28:
0x82: {  	[tilespmem:s0], [sflag:$0x4] =	stream.linear.gather [hbm4b:s21+s2], $0x80, $0x38;
	[tilespmem:$0x1D008] =	vst v63  }
0x83: {  	s21 =	smov.u32 s3;
	s0 =	smov.u32 s18;
	p1 =	sne.s32 s3, $0xF80  }
.Ltmp13:
0x84: {  	s3 =	sadd.s32 $0x80, s3;
	(pc) =	sbr.rel @p1 .LBB2_28-.Ltmp13, $2  }
0x85: {  	_ =	sdelay $0x2  }
0x86: {  	s18 =	sadd.s32 $0x200, s18;
	s21 =	sadd.s32 s21, s17  }
0x87: {  	[tilespmem:s0], [sflag:$0x4] =	stream.linear.gather [hbm4b:s21+s2], $0x80, $0x38;
	[tilespmem:$0x1D008] =	vst v63  }
0x88: {  	s0 =	simm.s32 $0x8180  }
0x89: {  	s3 =	simm.s32 $0x80;
	s21 =	sadd.s32 $0x0, s19;
	s18 =	simm.s32 $0x8380  }
.LBB2_30:
0x8a: {  	[tilespmem:s0], [sflag:$0x4] =	stream.linear.gather [hbm4b:s21+s2], $0x80, $0x38;
	[tilespmem:$0x1D008] =	vst v63  }
0x8b: {  	s21 =	smov.u32 s3;
	s0 =	smov.u32 s18;
	p1 =	sne.s32 s3, $0xF80  }
.Ltmp14:
0x8c: {  	s3 =	sadd.s32 $0x80, s3;
	(pc) =	sbr.rel @p1 .LBB2_30-.Ltmp14, $2  }
0x8d: {  	_ =	sdelay $0x2  }
0x8e: {  	s18 =	sadd.s32 $0x200, s18;
	s21 =	sadd.s32 s21, s19  }
0x8f: {  	[tilespmem:s0], [sflag:$0x4] =	stream.linear.gather [hbm4b:s21+s2], $0x80, $0x38;
	[tilespmem:$0x1D008] =	vst v63  }
0x90: {  	s0 =	simm.s32 $0x0;
	s3 =	simm.s32 $0xC180  }
0x91: {  	s18 =	simm.s32 $0x80;
	s23 =	sadd.s32 $0x0, s20;
	s21 =	simm.s32 $0xC380  }
.LBB2_32:
0x92: {  	[tilespmem:s3], [sflag:$0x4] =	stream.linear.gather [hbm4b:s23+s0], $0x80, $0x38;
	[tilespmem:$0x1D008] =	vst v63  }
0x93: {  	s23 =	smov.u32 s18;
	s3 =	smov.u32 s21;
	p1 =	sne.s32 s18, $0xF80  }
.Ltmp15:
0x94: {  	s18 =	sadd.s32 $0x80, s18;
	(pc) =	sbr.rel @p1 .LBB2_32-.Ltmp15, $2  }
0x95: {  	_ =	sdelay $0x2  }
0x96: {  	s21 =	sadd.s32 $0x200, s21;
	s23 =	sadd.s32 s23, s20  }
0x97: {  	[tilespmem:s3], [sflag:$0x4] =	stream.linear.gather [hbm4b:s23+s0], $0x80, $0x38;
	[tilespmem:$0x1D008] =	vst v63  }
0x98: {  	s0 =	simm.s32 $0x40;
	s3 =	simm.s32 $0x0  }
.LBB2_34:
0x99: {  	p1 =	sne.s32 s0, $0x3FC0;
	[tilespmem:s3+$0x18000] =	vst v2;
	s3 =	smov.u32 s0;
	s0 =	sadd.s32 $0x40, s0  }
.Ltmp16:
0x9a: {  	(pc) =	sbr.rel @p1 .LBB2_34-.Ltmp16, $2  }
0x9b: {  	_ =	sdelay $0x2  }
0x9c: {  	s3 =	sshra.s32 s3, $0x2  }
0x9d: {  	[tilespmem:s3+$0x18000] =	vst v2;
	s23 =	simm.s32 $0x18000  }
0x9e: {  	[spmem:s25] =	stream.linear.scatter [tilespmem:s23], [sflag:$0x6], $0x1000, $0x38;
	[tilespmem:$0x1D008] =	vst v63  }
0x9f: {  	_ =	swait.ge [sflag:s24], $0x1000  }
0xa0: {  	[sflag:s24] =	ssyncset.done $0x0  }
0xa1: {  	s0 =	rddreg [dreg:$0x4];
	[sflag:s24] =	ssyncadd.s32 $0xFFFFF000  }
0xa2: {  	[spmem:s0] =	stream.linear.scatter [tilespmem:s23], [sflag:$0x6], $0x1000, $0x38;
	[tilespmem:$0x1D008] =	vst v63  }
0xa3: {  	_ =	swait.ge [sflag:s24], $0x1000  }
0xa4: {  	[sflag:s24] =	ssyncset.done $0x0  }
0xa5: {  	s25 =	rddreg [dreg:$0x7];
	[sflag:s24] =	ssyncadd.s32 $0xFFFFF000  }
0xa6: {  	[spmem:s25] =	stream.linear.scatter [tilespmem:s23], [sflag:$0x6], $0x1000, $0x38;
	[tilespmem:$0x1D008] =	vst v63  }
0xa7: {  	_ =	swait.ge [sflag:s24], $0x1000  }
0xa8: {  	[sflag:s24] =	ssyncset.done $0x0  }
0xa9: {  	s26 =	rddreg [dreg:$0x8];
	[sflag:s24] =	ssyncadd.s32 $0xFFFFF000  }
0xaa: {  	[spmem:s26] =	stream.linear.scatter [tilespmem:s23], [sflag:$0x6], $0x1000, $0x38;
	[tilespmem:$0x1D008] =	vst v63  }
0xab: {  	_ =	swait.ge [sflag:s24], $0x1000  }
0xac: {  	[sflag:s24] =	ssyncset.done $0x0  }
0xad: {  	s0 =	simm.s32 @!p0 $0x18000;
	s3 =	rddreg [dreg:$0x9];
	[sflag:s24] =	ssyncadd.s32 $0xFFFFF000  }
0xae: {  	[spmem:s3] =	stream.linear.scatter @!p0 [tilespmem:s0], [sflag:$0x6], $0x80, $0x38;
	[tilespmem:$0x1D008] =	vst v63  }
0xaf: {  	s0 =	simm.s32 @!p0 $0x6  }
0xb0: {  	_ =	swait.ge @!p0 [sflag:s0], $0x80  }
0xb1: {  	[sflag:s0] =	ssyncset.done @!p0 $0x0  }
0xb2: {  	[sflag:s0] =	ssyncadd.s32 @!p0 $0xFFFFFF80  }
0xb3: {  	s29 =	simm.s32 $0x1;
	[bflag:$0x0] =	sbarrier.arrive $0xFFFF  }
0xb4: {  	_ =	swait.ge [sflag:s29], $0x1000  }
0xb5: {  	[sflag:s29] =	ssyncset.done $0x0  }
0xb6: {  	[sflag:s29] =	ssyncadd.s32 $0xFFFFF000  }
0xb7: {  	_ =	swait.ge [sflag:s29], $0x1000  }
0xb8: {  	[sflag:s29] =	ssyncset.done $0x0  }
0xb9: {  	[sflag:s29] =	ssyncadd.s32 $0xFFFFF000  }
0xba: {  	_ =	swait.ge [sflag:s29], $0x1000  }
0xbb: {  	[sflag:s29] =	ssyncset.done $0x0  }
0xbc: {  	s18 =	simm.s32 $0xC000;
	[sflag:s29] =	ssyncadd.s32 $0xFFFFF000  }
0xbd: {  	s28 =	simm.s32 $0x8000;
	s30 =	simm.s32 $0x4000;
	_ =	swait.ge [sflag:s29], $0x1000  }
0xbe: {  	s25 =	simm.s32 $0x14000;
	s26 =	simm.s32 $0x10000;
	[sflag:s29] =	ssyncset.done $0x0  }
0xbf: {  	s24 =	simm.s32 $0x0;
	s0 =	simm.s32 $0x0;
	[sflag:s29] =	ssyncadd.s32 $0xFFFFF000  }
.LBB2_36:
0xc0: {  	v5 =	vmov s28;
	_ =	sdelay $0x3  }
0xc1: {  	s21 =	simm.s32 $0x0  }
0xc2: {  	v8 =	vld.idx.msk [tilespmem:v5+s21+$0x0 ss:$0x1], $0xffff;
	_ =	sdelay $0x3  }
0xc3: {  	v7 =	vmov s30  }
0xc4: {  	v6 =	vmov s24;
	(erf) = vrcp.f32 v8;
	_ =	sdelay $0x3  }
0xc5: {  	v3 =	vld.idx.msk [tilespmem:v7+s21+$0x0 ss:$0x1], $0xffff  }
0xc6: {  	v4 =	vld.idx.msk [tilespmem:v6+s21+$0x0 ss:$0x1], $0xffff;
	_ =	sdelay $0x3  }
0xc7: {  	v9 =	vpop (erf)  }
0xc8: {  	v10 =	vmul.f32 v9, v4;
	v3 =	vmul.f32 v9, v3;
	_ =	sdelay $0x1  }
0xc9: {  	v4 =	vmov s18;
	v9 =	vadd.f32 $5.000000000e-01, v10;
	v3 =	vadd.f32 $5.000000000e-01, v3;
	_ =	sdelay $0x1  }
0xca: {  	v9 =	vmul.f32 $2.560000000e+02, v9;
	v3 =	vmul.f32 $2.560000000e+02, v3;
	_ =	sdelay $0x1  }
0xcb: {  	v9 =	vmax.f32 v9, $0.0e+00;
	v3 =	vmax.f32 v3, $0.0e+00  }
0xcc: {  	v10 =	vld.idx.msk [tilespmem:v4+s21+$0x0 ss:$0x1], $0xffff;
	v9 =	vmin.f32 v9, $2.550000000e+02;
	v3 =	vmin.f32 v3, $2.550000000e+02  }
0xcd: {  	v9 =	vtrunc.f32 v9;
	v11 =	vtrunc.f32 v3  }
0xce: {  	v9 =	vcvt.f32.s32 v9;
	v11 =	vcvt.f32.s32 v11;
	_ =	sdelay $0x1  }
0xcf: {  	v3 =	vmov s26;
	v11 =	vshll.u32 v11, $0x8;
	v9 =	vadd.s32 v9, v0  }
0xd0: {  	vm0 =	vgt.f32 v10, $5.000000000e-01;
	v10 =	vmul.f32 v10, v8;
	v8 =	vadd.s32 v11, v9  }
0xd1: {  	v11 =	vsel vm0, v8, v1;
	v8 =	vmov s25;
	_ =	sdelay $0x2  }
0xd2: {  	s3 =	sshll.u32 s0, $0x7;
	s23 =	simm.s32 $0x40;
	s29 =	simm.s32 $0x80;
	v9 =	vnsel vm0, $0x0, v10;
	[tilespmem:v3+s21+$0x0 ss:$0x1] =	vst.idx.msk $0xffff, v11  }
.LBB2_37:
0xd3: {  	p1 =	sne.s32 s29, $0x1C0  }
0xd4: {  	[tilespmem:v8+s21+$0x0 ss:$0x1] =	vst.idx.msk $0xffff, v9;
	s21 =	sshra.s32 s23, $0x2;
	s23 =	smov.u32 s29;
	s29 =	sadd.s32 $0x40, s29  }
0xd5: {  	v9 =	vld.idx.msk [tilespmem:v5+s21+$0x0 ss:$0x1], $0xffff;
	_ =	sdelay $0x5  }
0xd6: {  	(erf) = vrcp.f32 v9;
	_ =	sdelay $0x2  }
0xd7: {  	v10 =	vld.idx.msk [tilespmem:v7+s21+$0x0 ss:$0x1], $0xffff  }
0xd8: {  	v11 =	vld.idx.msk [tilespmem:v6+s21+$0x0 ss:$0x1], $0xffff;
	_ =	sdelay $0x4  }
0xd9: {  	v12 =	vpop (erf)  }
0xda: {  	v11 =	vmul.f32 v12, v11;
	v10 =	vmul.f32 v12, v10;
	_ =	sdelay $0x1  }
0xdb: {  	v11 =	vadd.f32 $5.000000000e-01, v11;
	v10 =	vadd.f32 $5.000000000e-01, v10;
	_ =	sdelay $0x1  }
0xdc: {  	v11 =	vmul.f32 $2.560000000e+02, v11;
	v10 =	vmul.f32 $2.560000000e+02, v10;
	_ =	sdelay $0x1  }
0xdd: {  	v12 =	vld.idx.msk [tilespmem:v4+s21+$0x0 ss:$0x1], $0xffff;
	v11 =	vmax.f32 v11, $0.0e+00;
	v10 =	vmax.f32 v10, $0.0e+00  }
0xde: {  	v11 =	vmin.f32 v11, $2.550000000e+02;
	v10 =	vmin.f32 v10, $2.550000000e+02  }
0xdf: {  	v11 =	vtrunc.f32 v11;
	v10 =	vtrunc.f32 v10  }
0xe0: {  	v11 =	vcvt.f32.s32 v11;
	v10 =	vcvt.f32.s32 v10  }
.Ltmp17:
0xe1: {  	(pc) =	sbr.rel @p1 .LBB2_37-.Ltmp17, $4  }
0xe2: {  	v10 =	vshll.u32 v10, $0x8;
	v11 =	vadd.s32 v11, v0  }
0xe3: {  	vm0 =	vgt.f32 v12, $5.000000000e-01;
	v9 =	vmul.f32 v12, v9;
	v10 =	vadd.s32 v10, v11  }
0xe4: {  	v10 =	vsel vm0, v10, v1  }
0xe5: {  	v9 =	vnsel vm0, $0x0, v9;
	[tilespmem:v3+s21+$0x0 ss:$0x1] =	vst.idx.msk $0xffff, v10  }
0xe6: {  	_ =	sdelay $0x3  }
0xe7: {  	s23 =	sshra.s32 s23, $0x2;
	[tilespmem:v8+s21+$0x0 ss:$0x1] =	vst.idx.msk $0xffff, v9  }
0xe8: {  	v5 =	vld.idx.msk [tilespmem:v5+s23+$0x0 ss:$0x1], $0xffff;
	_ =	sdelay $0x4  }
0xe9: {  	(erf) = vrcp.f32 v5;
	_ =	sdelay $0x3  }
0xea: {  	v7 =	vld.idx.msk [tilespmem:v7+s23+$0x0 ss:$0x1], $0xffff  }
0xeb: {  	v6 =	vld.idx.msk [tilespmem:v6+s23+$0x0 ss:$0x1], $0xffff;
	_ =	sdelay $0x3  }
0xec: {  	v62 =	vpop (erf)  }
0xed: {  	v6 =	vmul.f32 v62, v6;
	v7 =	vmul.f32 v62, v7;
	_ =	sdelay $0x1  }
0xee: {  	v6 =	vadd.f32 $5.000000000e-01, v6;
	v7 =	vadd.f32 $5.000000000e-01, v7;
	_ =	sdelay $0x1  }
0xef: {  	v6 =	vmul.f32 $2.560000000e+02, v6;
	v7 =	vmul.f32 $2.560000000e+02, v7;
	_ =	sdelay $0x1  }
0xf0: {  	v6 =	vmax.f32 v6, $0.0e+00;
	v7 =	vmax.f32 v7, $0.0e+00  }
0xf1: {  	v4 =	vld.idx.msk [tilespmem:v4+s23+$0x0 ss:$0x1], $0xffff;
	v6 =	vmin.f32 v6, $2.550000000e+02;
	v7 =	vmin.f32 v7, $2.550000000e+02  }
0xf2: {  	v6 =	vtrunc.f32 v6;
	v7 =	vtrunc.f32 v7  }
0xf3: {  	v6 =	vcvt.f32.s32 v6;
	v7 =	vcvt.f32.s32 v7  }
0xf4: {  	s0 =	sadd.s32 $0x1, s0  }
0xf5: {  	p1 =	sne.s32 s0, $0x20;
	v7 =	vshll.u32 v7, $0x8;
	v6 =	vadd.s32 v6, v0  }
.Ltmp18:
0xf6: {  	vm0 =	vgt.f32 v4, $5.000000000e-01;
	v4 =	vmul.f32 v4, v5;
	v63 =	vadd.s32 v7, v6;
	(pc) =	sbr.rel @p1 .LBB2_36-.Ltmp18, $4  }
0xf7: {  	s29 =	sadd.s32 $0x10000, s3;
	s25 =	sadd.s32 $0x80, s25;
	v5 =	vsel vm0, v63, v1  }
0xf8: {  	s26 =	sadd.s32 $0x80, s26;
	s18 =	sadd.s32 $0x200, s18;
	s28 =	sadd.s32 $0x200, s28;
	v4 =	vnsel vm0, $0x0, v4;
	[tilespmem:v3+s23+$0x0 ss:$0x1] =	vst.idx.msk $0xffff, v5  }
0xf9: {  	s30 =	sadd.s32 $0x200, s30;
	s24 =	sadd.s32 $0x200, s24;
	[tilespmem:v8+s23+$0x0 ss:$0x1] =	vst.idx.msk $0xffff, v4;
	s23 =	sadd.s32 $0x14000, s3  }
0xfa: {  	[spmem:s1] =	stream.indirect.scatter.add.f32 [tilespmem:s23], [sflag:$0x5], $0x1, s29, s31, $0xb8;
	[tilespmem:$0x1D008] =	vst v63  }
0xfb: {  	s0 =	simm.s32 $0x2  }
0xfc: {  	_ =	swait.ge [sflag:s0], $0x1000  }
0xfd: {  	[sflag:s0] =	ssyncset.done $0x0  }
0xfe: {  	[sflag:s0] =	ssyncadd.s32 $0xFFFFF000  }
0xff: {  	_ =	swait.ge [sflag:s0], $0x1000  }
0x100: {  	[sflag:s0] =	ssyncset.done $0x0  }
0x101: {  	[sflag:s0] =	ssyncadd.s32 $0xFFFFF000  }
0x102: {  	_ =	swait.ge [sflag:s0], $0x1000  }
0x103: {  	[sflag:s0] =	ssyncset.done $0x0  }
0x104: {  	[sflag:s0] =	ssyncadd.s32 $0xFFFFF000  }
0x105: {  	s24 =	simm.s32 $0x0;
	_ =	swait.ge [sflag:s0], $0x1000  }
0x106: {  	s25 =	simm.s32 $0xC080;
	s26 =	simm.s32 $0x8080;
	[sflag:s0] =	ssyncset.done $0x0  }
0x107: {  	s28 =	simm.s32 $0x4080;
	s18 =	simm.s32 $0x80;
	[sflag:s0] =	ssyncadd.s32 $0xFFFFF000  }
.LBB2_40:
0x108: {  	v4 =	vmov s26;
	_ =	sdelay $0x3  }
0x109: {  	s30 =	simm.s32 $0x0  }
0x10a: {  	v8 =	vld.idx.msk [tilespmem:v4+s30+$0x0 ss:$0x1], $0xffff;
	_ =	sdelay $0x3  }
0x10b: {  	v6 =	vmov s28  }
0x10c: {  	v5 =	vmov s18;
	(erf) = vrcp.f32 v8;
	_ =	sdelay $0x3  }
0x10d: {  	v3 =	vld.idx.msk [tilespmem:v6+s30+$0x0 ss:$0x1], $0xffff  }
0x10e: {  	v7 =	vld.idx.msk [tilespmem:v5+s30+$0x0 ss:$0x1], $0xffff;
	_ =	sdelay $0x3  }
0x10f: {  	v9 =	vpop (erf)  }
0x110: {  	v7 =	vmul.f32 v9, v7;
	v9 =	vmul.f32 v9, v3;
	_ =	sdelay $0x1  }
0x111: {  	v3 =	vmov s25;
	v7 =	vadd.f32 $5.000000000e-01, v7;
	v9 =	vadd.f32 $5.000000000e-01, v9;
	_ =	sdelay $0x1  }
0x112: {  	v7 =	vmul.f32 $2.560000000e+02, v7;
	v9 =	vmul.f32 $2.560000000e+02, v9;
	_ =	sdelay $0x1  }
0x113: {  	s0 =	sshll.u32 s24, $0x7;
	v7 =	vmax.f32 v7, $0.0e+00;
	v9 =	vmax.f32 v9, $0.0e+00  }
0x114: {  	s0 =	sor.u32 $0x1000, s0;
	v10 =	vld.idx.msk [tilespmem:v3+s30+$0x0 ss:$0x1], $0xffff;
	v7 =	vmin.f32 v7, $2.550000000e+02;
	v9 =	vmin.f32 v9, $2.550000000e+02  }
0x115: {  	s3 =	sshll.u32 s0, $0x2;
	v11 =	vtrunc.f32 v7;
	v9 =	vtrunc.f32 v9  }
0x116: {  	s3 =	sshra.s32 s3, $0x2;
	v11 =	vcvt.f32.s32 v11;
	v9 =	vcvt.f32.s32 v9  }
0x117: {  	s21 =	sadd.s32 $0x10000, s3  }
0x118: {  	v7 =	vmov s21;
	v9 =	vshll.u32 v9, $0x8;
	v11 =	vadd.s32 v11, v0  }
0x119: {  	s3 =	sadd.s32 $0x14000, s3;
	vm0 =	vgt.f32 v10, $5.000000000e-01;
	v10 =	vmul.f32 v10, v8;
	v8 =	vadd.s32 v9, v11  }
0x11a: {  	v11 =	vsel vm0, v8, v1;
	v8 =	vmov s3;
	_ =	sdelay $0x2  }
0x11b: {  	s21 =	simm.s32 $0x80;
	v9 =	vnsel vm0, $0x0, v10;
	s3 =	simm.s32 $0x40;
	[tilespmem:v7+s30+$0x0 ss:$0x1] =	vst.idx.msk $0xffff, v11  }
.LBB2_41:
0x11c: {  	p1 =	sne.s32 s21, $0x1C0  }
0x11d: {  	[tilespmem:v8+s30+$0x0 ss:$0x1] =	vst.idx.msk $0xffff, v9;
	s30 =	sshra.s32 s3, $0x2;
	s3 =	smov.u32 s21;
	s21 =	sadd.s32 $0x40, s21  }
0x11e: {  	v9 =	vld.idx.msk [tilespmem:v4+s30+$0x0 ss:$0x1], $0xffff;
	_ =	sdelay $0x5  }
0x11f: {  	(erf) = vrcp.f32 v9;
	_ =	sdelay $0x2  }
0x120: {  	v10 =	vld.idx.msk [tilespmem:v6+s30+$0x0 ss:$0x1], $0xffff  }
0x121: {  	v11 =	vld.idx.msk [tilespmem:v5+s30+$0x0 ss:$0x1], $0xffff;
	_ =	sdelay $0x4  }
0x122: {  	v12 =	vpop (erf)  }
0x123: {  	v11 =	vmul.f32 v12, v11;
	v10 =	vmul.f32 v12, v10;
	_ =	sdelay $0x1  }
0x124: {  	v11 =	vadd.f32 $5.000000000e-01, v11;
	v10 =	vadd.f32 $5.000000000e-01, v10;
	_ =	sdelay $0x1  }
0x125: {  	v11 =	vmul.f32 $2.560000000e+02, v11;
	v10 =	vmul.f32 $2.560000000e+02, v10;
	_ =	sdelay $0x1  }
0x126: {  	v12 =	vld.idx.msk [tilespmem:v3+s30+$0x0 ss:$0x1], $0xffff;
	v11 =	vmax.f32 v11, $0.0e+00;
	v10 =	vmax.f32 v10, $0.0e+00  }
0x127: {  	v11 =	vmin.f32 v11, $2.550000000e+02;
	v10 =	vmin.f32 v10, $2.550000000e+02  }
0x128: {  	v11 =	vtrunc.f32 v11;
	v10 =	vtrunc.f32 v10  }
0x129: {  	v11 =	vcvt.f32.s32 v11;
	v10 =	vcvt.f32.s32 v10  }
.Ltmp19:
0x12a: {  	(pc) =	sbr.rel @p1 .LBB2_41-.Ltmp19, $4  }
0x12b: {  	v10 =	vshll.u32 v10, $0x8;
	v11 =	vadd.s32 v11, v0  }
0x12c: {  	vm0 =	vgt.f32 v12, $5.000000000e-01;
	v9 =	vmul.f32 v12, v9;
	v10 =	vadd.s32 v10, v11  }
0x12d: {  	v10 =	vsel vm0, v10, v1  }
0x12e: {  	v9 =	vnsel vm0, $0x0, v9;
	[tilespmem:v7+s30+$0x0 ss:$0x1] =	vst.idx.msk $0xffff, v10  }
0x12f: {  	_ =	sdelay $0x3  }
0x130: {  	s3 =	sshra.s32 s3, $0x2;
	[tilespmem:v8+s30+$0x0 ss:$0x1] =	vst.idx.msk $0xffff, v9  }
0x131: {  	v4 =	vld.idx.msk [tilespmem:v4+s3+$0x0 ss:$0x1], $0xffff;
	_ =	sdelay $0x4  }
0x132: {  	(erf) = vrcp.f32 v4;
	_ =	sdelay $0x3  }
0x133: {  	v6 =	vld.idx.msk [tilespmem:v6+s3+$0x0 ss:$0x1], $0xffff  }
0x134: {  	v5 =	vld.idx.msk [tilespmem:v5+s3+$0x0 ss:$0x1], $0xffff;
	_ =	sdelay $0x3  }
0x135: {  	v62 =	vpop (erf)  }
0x136: {  	v5 =	vmul.f32 v62, v5;
	v6 =	vmul.f32 v62, v6;
	_ =	sdelay $0x1  }
0x137: {  	v5 =	vadd.f32 $5.000000000e-01, v5;
	v6 =	vadd.f32 $5.000000000e-01, v6;
	_ =	sdelay $0x1  }
0x138: {  	v5 =	vmul.f32 $2.560000000e+02, v5;
	v6 =	vmul.f32 $2.560000000e+02, v6;
	_ =	sdelay $0x1  }
0x139: {  	v5 =	vmax.f32 v5, $0.0e+00;
	v6 =	vmax.f32 v6, $0.0e+00  }
0x13a: {  	v3 =	vld.idx.msk [tilespmem:v3+s3+$0x0 ss:$0x1], $0xffff;
	v5 =	vmin.f32 v5, $2.550000000e+02;
	v6 =	vmin.f32 v6, $2.550000000e+02  }
0x13b: {  	v5 =	vtrunc.f32 v5;
	v6 =	vtrunc.f32 v6  }
0x13c: {  	v5 =	vcvt.f32.s32 v5;
	v6 =	vcvt.f32.s32 v6  }
0x13d: {  	s24 =	sadd.s32 $0x1, s24  }
0x13e: {  	p1 =	sne.s32 s24, $0x20;
	v6 =	vshll.u32 v6, $0x8;
	v5 =	vadd.s32 v5, v0  }
.Ltmp20:
0x13f: {  	vm0 =	vgt.f32 v3, $5.000000000e-01;
	v3 =	vmul.f32 v3, v4;
	v63 =	vadd.s32 v6, v5;
	(pc) =	sbr.rel @p1 .LBB2_40-.Ltmp20, $4  }
0x140: {  	v4 =	vsel vm0, v63, v1  }
0x141: {  	s29 =	sadd.s32 $0x14000, s0;
	s30 =	sadd.s32 $0x10000, s0;
	s25 =	sadd.s32 $0x200, s25;
	v3 =	vnsel vm0, $0x0, v3;
	[tilespmem:v7+s3+$0x0 ss:$0x1] =	vst.idx.msk $0xffff, v4  }
0x142: {  	s26 =	sadd.s32 $0x200, s26;
	s28 =	sadd.s32 $0x200, s28;
	s18 =	sadd.s32 $0x200, s18;
	[tilespmem:v8+s3+$0x0 ss:$0x1] =	vst.idx.msk $0xffff, v3  }
0x143: {  	[spmem:s1] =	stream.indirect.scatter.add.f32 [tilespmem:s29], [sflag:$0x5], $0x1, s30, s31, $0xb8;
	[tilespmem:$0x1D008] =	vst v63  }
0x144: {  	s0 =	simm.s32 $0x3  }
0x145: {  	_ =	swait.ge [sflag:s0], $0x1000  }
0x146: {  	[sflag:s0] =	ssyncset.done $0x0  }
0x147: {  	[sflag:s0] =	ssyncadd.s32 $0xFFFFF000  }
0x148: {  	_ =	swait.ge [sflag:s0], $0x1000  }
0x149: {  	[sflag:s0] =	ssyncset.done $0x0  }
0x14a: {  	[sflag:s0] =	ssyncadd.s32 $0xFFFFF000  }
0x14b: {  	_ =	swait.ge [sflag:s0], $0x1000  }
0x14c: {  	[sflag:s0] =	ssyncset.done $0x0  }
0x14d: {  	[sflag:s0] =	ssyncadd.s32 $0xFFFFF000  }
0x14e: {  	s24 =	simm.s32 $0x0;
	_ =	swait.ge [sflag:s0], $0x1000  }
0x14f: {  	s25 =	simm.s32 $0xC100;
	s26 =	simm.s32 $0x8100;
	[sflag:s0] =	ssyncset.done $0x0  }
0x150: {  	s28 =	simm.s32 $0x4100;
	s18 =	simm.s32 $0x100;
	[sflag:s0] =	ssyncadd.s32 $0xFFFFF000  }
.LBB2_44:
0x151: {  	v4 =	vmov s26;
	_ =	sdelay $0x3  }
0x152: {  	s30 =	simm.s32 $0x0  }
0x153: {  	v8 =	vld.idx.msk [tilespmem:v4+s30+$0x0 ss:$0x1], $0xffff;
	_ =	sdelay $0x3  }
0x154: {  	v6 =	vmov s28  }
0x155: {  	v5 =	vmov s18;
	(erf) = vrcp.f32 v8;
	_ =	sdelay $0x3  }
0x156: {  	v3 =	vld.idx.msk [tilespmem:v6+s30+$0x0 ss:$0x1], $0xffff  }
0x157: {  	v7 =	vld.idx.msk [tilespmem:v5+s30+$0x0 ss:$0x1], $0xffff;
	_ =	sdelay $0x3  }
0x158: {  	v9 =	vpop (erf)  }
0x159: {  	v7 =	vmul.f32 v9, v7;
	v9 =	vmul.f32 v9, v3;
	_ =	sdelay $0x1  }
0x15a: {  	v3 =	vmov s25;
	v7 =	vadd.f32 $5.000000000e-01, v7;
	v9 =	vadd.f32 $5.000000000e-01, v9;
	_ =	sdelay $0x1  }
0x15b: {  	v7 =	vmul.f32 $2.560000000e+02, v7;
	v9 =	vmul.f32 $2.560000000e+02, v9;
	_ =	sdelay $0x1  }
0x15c: {  	s0 =	sshll.u32 s24, $0x7;
	v7 =	vmax.f32 v7, $0.0e+00;
	v9 =	vmax.f32 v9, $0.0e+00  }
0x15d: {  	s0 =	sor.u32 $0x2000, s0;
	v10 =	vld.idx.msk [tilespmem:v3+s30+$0x0 ss:$0x1], $0xffff;
	v7 =	vmin.f32 v7, $2.550000000e+02;
	v9 =	vmin.f32 v9, $2.550000000e+02  }
0x15e: {  	s3 =	sshll.u32 s0, $0x2;
	v11 =	vtrunc.f32 v7;
	v9 =	vtrunc.f32 v9  }
0x15f: {  	s3 =	sshra.s32 s3, $0x2;
	v11 =	vcvt.f32.s32 v11;
	v9 =	vcvt.f32.s32 v9  }
0x160: {  	s21 =	sadd.s32 $0x10000, s3  }
0x161: {  	v7 =	vmov s21;
	v9 =	vshll.u32 v9, $0x8;
	v11 =	vadd.s32 v11, v0  }
0x162: {  	s3 =	sadd.s32 $0x14000, s3;
	vm0 =	vgt.f32 v10, $5.000000000e-01;
	v10 =	vmul.f32 v10, v8;
	v8 =	vadd.s32 v9, v11  }
0x163: {  	v11 =	vsel vm0, v8, v1;
	v8 =	vmov s3;
	_ =	sdelay $0x2  }
0x164: {  	s21 =	simm.s32 $0x80;
	v9 =	vnsel vm0, $0x0, v10;
	s3 =	simm.s32 $0x40;
	[tilespmem:v7+s30+$0x0 ss:$0x1] =	vst.idx.msk $0xffff, v11  }
.LBB2_45:
0x165: {  	p1 =	sne.s32 s21, $0x1C0  }
0x166: {  	[tilespmem:v8+s30+$0x0 ss:$0x1] =	vst.idx.msk $0xffff, v9;
	s30 =	sshra.s32 s3, $0x2;
	s3 =	smov.u32 s21;
	s21 =	sadd.s32 $0x40, s21  }
0x167: {  	v9 =	vld.idx.msk [tilespmem:v4+s30+$0x0 ss:$0x1], $0xffff;
	_ =	sdelay $0x5  }
0x168: {  	(erf) = vrcp.f32 v9;
	_ =	sdelay $0x2  }
0x169: {  	v10 =	vld.idx.msk [tilespmem:v6+s30+$0x0 ss:$0x1], $0xffff  }
0x16a: {  	v11 =	vld.idx.msk [tilespmem:v5+s30+$0x0 ss:$0x1], $0xffff;
	_ =	sdelay $0x4  }
0x16b: {  	v12 =	vpop (erf)  }
0x16c: {  	v11 =	vmul.f32 v12, v11;
	v10 =	vmul.f32 v12, v10;
	_ =	sdelay $0x1  }
0x16d: {  	v11 =	vadd.f32 $5.000000000e-01, v11;
	v10 =	vadd.f32 $5.000000000e-01, v10;
	_ =	sdelay $0x1  }
0x16e: {  	v11 =	vmul.f32 $2.560000000e+02, v11;
	v10 =	vmul.f32 $2.560000000e+02, v10;
	_ =	sdelay $0x1  }
0x16f: {  	v12 =	vld.idx.msk [tilespmem:v3+s30+$0x0 ss:$0x1], $0xffff;
	v11 =	vmax.f32 v11, $0.0e+00;
	v10 =	vmax.f32 v10, $0.0e+00  }
0x170: {  	v11 =	vmin.f32 v11, $2.550000000e+02;
	v10 =	vmin.f32 v10, $2.550000000e+02  }
0x171: {  	v11 =	vtrunc.f32 v11;
	v10 =	vtrunc.f32 v10  }
0x172: {  	v11 =	vcvt.f32.s32 v11;
	v10 =	vcvt.f32.s32 v10  }
.Ltmp21:
0x173: {  	(pc) =	sbr.rel @p1 .LBB2_45-.Ltmp21, $4  }
0x174: {  	v10 =	vshll.u32 v10, $0x8;
	v11 =	vadd.s32 v11, v0  }
0x175: {  	vm0 =	vgt.f32 v12, $5.000000000e-01;
	v9 =	vmul.f32 v12, v9;
	v10 =	vadd.s32 v10, v11  }
0x176: {  	v10 =	vsel vm0, v10, v1  }
0x177: {  	v9 =	vnsel vm0, $0x0, v9;
	[tilespmem:v7+s30+$0x0 ss:$0x1] =	vst.idx.msk $0xffff, v10  }
0x178: {  	_ =	sdelay $0x3  }
0x179: {  	s3 =	sshra.s32 s3, $0x2;
	[tilespmem:v8+s30+$0x0 ss:$0x1] =	vst.idx.msk $0xffff, v9  }
0x17a: {  	v4 =	vld.idx.msk [tilespmem:v4+s3+$0x0 ss:$0x1], $0xffff;
	_ =	sdelay $0x4  }
0x17b: {  	(erf) = vrcp.f32 v4;
	_ =	sdelay $0x3  }
0x17c: {  	v6 =	vld.idx.msk [tilespmem:v6+s3+$0x0 ss:$0x1], $0xffff  }
0x17d: {  	v5 =	vld.idx.msk [tilespmem:v5+s3+$0x0 ss:$0x1], $0xffff;
	_ =	sdelay $0x3  }
0x17e: {  	v62 =	vpop (erf)  }
0x17f: {  	v5 =	vmul.f32 v62, v5;
	v6 =	vmul.f32 v62, v6;
	_ =	sdelay $0x1  }
0x180: {  	v5 =	vadd.f32 $5.000000000e-01, v5;
	v6 =	vadd.f32 $5.000000000e-01, v6;
	_ =	sdelay $0x1  }
0x181: {  	v5 =	vmul.f32 $2.560000000e+02, v5;
	v6 =	vmul.f32 $2.560000000e+02, v6;
	_ =	sdelay $0x1  }
0x182: {  	v5 =	vmax.f32 v5, $0.0e+00;
	v6 =	vmax.f32 v6, $0.0e+00  }
0x183: {  	v3 =	vld.idx.msk [tilespmem:v3+s3+$0x0 ss:$0x1], $0xffff;
	v5 =	vmin.f32 v5, $2.550000000e+02;
	v6 =	vmin.f32 v6, $2.550000000e+02  }
0x184: {  	v5 =	vtrunc.f32 v5;
	v6 =	vtrunc.f32 v6  }
0x185: {  	v5 =	vcvt.f32.s32 v5;
	v6 =	vcvt.f32.s32 v6  }
0x186: {  	s24 =	sadd.s32 $0x1, s24  }
0x187: {  	p1 =	sne.s32 s24, $0x20;
	v6 =	vshll.u32 v6, $0x8;
	v5 =	vadd.s32 v5, v0  }
.Ltmp22:
0x188: {  	vm0 =	vgt.f32 v3, $5.000000000e-01;
	v3 =	vmul.f32 v3, v4;
	v63 =	vadd.s32 v6, v5;
	(pc) =	sbr.rel @p1 .LBB2_44-.Ltmp22, $4  }
0x189: {  	v4 =	vsel vm0, v63, v1  }
0x18a: {  	s29 =	sadd.s32 $0x14000, s0;
	s30 =	sadd.s32 $0x10000, s0;
	s25 =	sadd.s32 $0x200, s25;
	v3 =	vnsel vm0, $0x0, v3;
	[tilespmem:v7+s3+$0x0 ss:$0x1] =	vst.idx.msk $0xffff, v4  }
0x18b: {  	s26 =	sadd.s32 $0x200, s26;
	s28 =	sadd.s32 $0x200, s28;
	s18 =	sadd.s32 $0x200, s18;
	[tilespmem:v8+s3+$0x0 ss:$0x1] =	vst.idx.msk $0xffff, v3  }
0x18c: {  	[spmem:s1] =	stream.indirect.scatter.add.f32 [tilespmem:s29], [sflag:$0x5], $0x1, s30, s31, $0xb8;
	[tilespmem:$0x1D008] =	vst v63  }
0x18d: {  	s0 =	simm.s32 $0x4  }
0x18e: {  	_ =	swait.ge [sflag:s0], $0x1000  }
0x18f: {  	[sflag:s0] =	ssyncset.done $0x0  }
0x190: {  	[sflag:s0] =	ssyncadd.s32 $0xFFFFF000  }
0x191: {  	_ =	swait.ge [sflag:s0], $0x1000  }
0x192: {  	[sflag:s0] =	ssyncset.done $0x0  }
0x193: {  	[sflag:s0] =	ssyncadd.s32 $0xFFFFF000  }
0x194: {  	_ =	swait.ge [sflag:s0], $0x1000  }
0x195: {  	[sflag:s0] =	ssyncset.done $0x0  }
0x196: {  	[sflag:s0] =	ssyncadd.s32 $0xFFFFF000  }
0x197: {  	s24 =	simm.s32 $0x0;
	_ =	swait.ge [sflag:s0], $0x1000  }
0x198: {  	s25 =	simm.s32 $0xC180;
	s26 =	simm.s32 $0x8180;
	[sflag:s0] =	ssyncset.done $0x0  }
0x199: {  	s28 =	simm.s32 $0x4180;
	s18 =	simm.s32 $0x180;
	[sflag:s0] =	ssyncadd.s32 $0xFFFFF000  }
.LBB2_48:
0x19a: {  	v4 =	vmov s26;
	_ =	sdelay $0x3  }
0x19b: {  	s30 =	simm.s32 $0x0  }
0x19c: {  	v8 =	vld.idx.msk [tilespmem:v4+s30+$0x0 ss:$0x1], $0xffff;
	_ =	sdelay $0x3  }
0x19d: {  	v6 =	vmov s28  }
0x19e: {  	v5 =	vmov s18;
	(erf) = vrcp.f32 v8;
	_ =	sdelay $0x3  }
0x19f: {  	v3 =	vld.idx.msk [tilespmem:v6+s30+$0x0 ss:$0x1], $0xffff  }
0x1a0: {  	v7 =	vld.idx.msk [tilespmem:v5+s30+$0x0 ss:$0x1], $0xffff;
	_ =	sdelay $0x3  }
0x1a1: {  	v9 =	vpop (erf)  }
0x1a2: {  	v7 =	vmul.f32 v9, v7;
	v9 =	vmul.f32 v9, v3;
	_ =	sdelay $0x1  }
0x1a3: {  	v3 =	vmov s25;
	v7 =	vadd.f32 $5.000000000e-01, v7;
	v9 =	vadd.f32 $5.000000000e-01, v9;
	_ =	sdelay $0x1  }
0x1a4: {  	v7 =	vmul.f32 $2.560000000e+02, v7;
	v9 =	vmul.f32 $2.560000000e+02, v9;
	_ =	sdelay $0x1  }
0x1a5: {  	s0 =	sshll.u32 s24, $0x7;
	v7 =	vmax.f32 v7, $0.0e+00;
	v9 =	vmax.f32 v9, $0.0e+00  }
0x1a6: {  	s0 =	sor.u32 $0x3000, s0;
	v10 =	vld.idx.msk [tilespmem:v3+s30+$0x0 ss:$0x1], $0xffff;
	v7 =	vmin.f32 v7, $2.550000000e+02;
	v9 =	vmin.f32 v9, $2.550000000e+02  }
0x1a7: {  	s3 =	sshll.u32 s0, $0x2;
	v11 =	vtrunc.f32 v7;
	v9 =	vtrunc.f32 v9  }
0x1a8: {  	s3 =	sshra.s32 s3, $0x2;
	v11 =	vcvt.f32.s32 v11;
	v9 =	vcvt.f32.s32 v9  }
0x1a9: {  	s21 =	sadd.s32 $0x10000, s3  }
0x1aa: {  	v7 =	vmov s21;
	v9 =	vshll.u32 v9, $0x8;
	v11 =	vadd.s32 v11, v0  }
0x1ab: {  	s3 =	sadd.s32 $0x14000, s3;
	vm0 =	vgt.f32 v10, $5.000000000e-01;
	v10 =	vmul.f32 v10, v8;
	v8 =	vadd.s32 v9, v11  }
0x1ac: {  	v11 =	vsel vm0, v8, v1;
	v8 =	vmov s3;
	_ =	sdelay $0x2  }
0x1ad: {  	s21 =	simm.s32 $0x80;
	v9 =	vnsel vm0, $0x0, v10;
	s3 =	simm.s32 $0x40;
	[tilespmem:v7+s30+$0x0 ss:$0x1] =	vst.idx.msk $0xffff, v11  }
.LBB2_49:
0x1ae: {  	p1 =	sne.s32 s21, $0x1C0  }
0x1af: {  	[tilespmem:v8+s30+$0x0 ss:$0x1] =	vst.idx.msk $0xffff, v9;
	s30 =	sshra.s32 s3, $0x2;
	s3 =	smov.u32 s21;
	s21 =	sadd.s32 $0x40, s21  }
0x1b0: {  	v9 =	vld.idx.msk [tilespmem:v4+s30+$0x0 ss:$0x1], $0xffff;
	_ =	sdelay $0x5  }
0x1b1: {  	(erf) = vrcp.f32 v9;
	_ =	sdelay $0x2  }
0x1b2: {  	v10 =	vld.idx.msk [tilespmem:v6+s30+$0x0 ss:$0x1], $0xffff  }
0x1b3: {  	v11 =	vld.idx.msk [tilespmem:v5+s30+$0x0 ss:$0x1], $0xffff;
	_ =	sdelay $0x4  }
0x1b4: {  	v12 =	vpop (erf)  }
0x1b5: {  	v11 =	vmul.f32 v12, v11;
	v10 =	vmul.f32 v12, v10;
	_ =	sdelay $0x1  }
0x1b6: {  	v11 =	vadd.f32 $5.000000000e-01, v11;
	v10 =	vadd.f32 $5.000000000e-01, v10;
	_ =	sdelay $0x1  }
0x1b7: {  	v11 =	vmul.f32 $2.560000000e+02, v11;
	v10 =	vmul.f32 $2.560000000e+02, v10;
	_ =	sdelay $0x1  }
0x1b8: {  	v12 =	vld.idx.msk [tilespmem:v3+s30+$0x0 ss:$0x1], $0xffff;
	v11 =	vmax.f32 v11, $0.0e+00;
	v10 =	vmax.f32 v10, $0.0e+00  }
0x1b9: {  	v11 =	vmin.f32 v11, $2.550000000e+02;
	v10 =	vmin.f32 v10, $2.550000000e+02  }
0x1ba: {  	v11 =	vtrunc.f32 v11;
	v10 =	vtrunc.f32 v10  }
0x1bb: {  	v11 =	vcvt.f32.s32 v11;
	v10 =	vcvt.f32.s32 v10  }
.Ltmp23:
0x1bc: {  	(pc) =	sbr.rel @p1 .LBB2_49-.Ltmp23, $4  }
0x1bd: {  	v10 =	vshll.u32 v10, $0x8;
	v11 =	vadd.s32 v11, v0  }
0x1be: {  	vm0 =	vgt.f32 v12, $5.000000000e-01;
	v9 =	vmul.f32 v12, v9;
	v10 =	vadd.s32 v10, v11  }
0x1bf: {  	v10 =	vsel vm0, v10, v1  }
0x1c0: {  	v9 =	vnsel vm0, $0x0, v9;
	[tilespmem:v7+s30+$0x0 ss:$0x1] =	vst.idx.msk $0xffff, v10  }
0x1c1: {  	_ =	sdelay $0x3  }
0x1c2: {  	s3 =	sshra.s32 s3, $0x2;
	[tilespmem:v8+s30+$0x0 ss:$0x1] =	vst.idx.msk $0xffff, v9  }
0x1c3: {  	v4 =	vld.idx.msk [tilespmem:v4+s3+$0x0 ss:$0x1], $0xffff;
	_ =	sdelay $0x4  }
0x1c4: {  	(erf) = vrcp.f32 v4;
	_ =	sdelay $0x3  }
0x1c5: {  	v6 =	vld.idx.msk [tilespmem:v6+s3+$0x0 ss:$0x1], $0xffff  }
0x1c6: {  	v5 =	vld.idx.msk [tilespmem:v5+s3+$0x0 ss:$0x1], $0xffff;
	_ =	sdelay $0x3  }
0x1c7: {  	v62 =	vpop (erf)  }
0x1c8: {  	v5 =	vmul.f32 v62, v5;
	v6 =	vmul.f32 v62, v6;
	_ =	sdelay $0x1  }
0x1c9: {  	v5 =	vadd.f32 $5.000000000e-01, v5;
	v6 =	vadd.f32 $5.000000000e-01, v6;
	_ =	sdelay $0x1  }
0x1ca: {  	v5 =	vmul.f32 $2.560000000e+02, v5;
	v6 =	vmul.f32 $2.560000000e+02, v6;
	_ =	sdelay $0x1  }
0x1cb: {  	v5 =	vmax.f32 v5, $0.0e+00;
	v6 =	vmax.f32 v6, $0.0e+00  }
0x1cc: {  	v3 =	vld.idx.msk [tilespmem:v3+s3+$0x0 ss:$0x1], $0xffff;
	v5 =	vmin.f32 v5, $2.550000000e+02;
	v6 =	vmin.f32 v6, $2.550000000e+02  }
0x1cd: {  	v5 =	vtrunc.f32 v5;
	v6 =	vtrunc.f32 v6  }
0x1ce: {  	v5 =	vcvt.f32.s32 v5;
	v6 =	vcvt.f32.s32 v6  }
0x1cf: {  	s24 =	sadd.s32 $0x1, s24  }
0x1d0: {  	p1 =	sne.s32 s24, $0x20;
	v6 =	vshll.u32 v6, $0x8;
	v5 =	vadd.s32 v5, v0  }
.Ltmp24:
0x1d1: {  	vm0 =	vgt.f32 v3, $5.000000000e-01;
	v3 =	vmul.f32 v3, v4;
	v63 =	vadd.s32 v6, v5;
	(pc) =	sbr.rel @p1 .LBB2_48-.Ltmp24, $4  }
0x1d2: {  	s30 =	sadd.s32 $0x14000, s0;
	v4 =	vsel vm0, v63, v1  }
0x1d3: {  	s21 =	sadd.s32 $0x10000, s0;
	s0 =	simm.s32 $0x80;
	s25 =	sadd.s32 $0x200, s25;
	v3 =	vnsel vm0, $0x0, v3;
	[tilespmem:v7+s3+$0x0 ss:$0x1] =	vst.idx.msk $0xffff, v4  }
0x1d4: {  	s26 =	sadd.s32 $0x200, s26;
	s28 =	sadd.s32 $0x200, s28;
	s18 =	sadd.s32 $0x200, s18;
	[tilespmem:v8+s3+$0x0 ss:$0x1] =	vst.idx.msk $0xffff, v3  }
0x1d5: {  	[spmem:s1] =	stream.indirect.scatter.add.f32 [tilespmem:s30], [sflag:$0x5], $0x1, s21, s0, $0xb8;
	[tilespmem:$0x1D008] =	vst v63  }
0x1d6: {  	_ =	swait.ge [sflag:s22], $0x80  }
0x1d7: {  	s0 =	sadd.s32 $0xFFFFFFFF, s0;
	[sflag:s22] =	ssyncset.done $0x0  }
.LBB2_52:
0x1d8: {  	p1 =	sne.s32 s0, $0x1;
	s0 =	sadd.s32 $0xFFFFFFFF, s0;
	[sflag:s22] =	ssyncadd.s32 $0xFFFFFF80  }
.Ltmp25:
0x1d9: {  	(pc) =	sbr.rel @p1 .LBB2_52-.Ltmp25, $3  }
0x1da: {  	_ =	sdelay $0x1  }
0x1db: {  	_ =	swait.ge [sflag:s22], $0x80  }
0x1dc: {  	[sflag:s22] =	ssyncset.done $0x0  }
0x1dd: {  	[sflag:s22] =	ssyncadd.s32 $0xFFFFFF80  }
0x1de: {  	s0 =	stileid.u32;
	[bflag:$0x0] =	sbarrier.arrive $0xFFFF  }
0x1df: {  	s24 =	simm.s32 $0x6;
	s0 =	sshll.u32 s0, $0x6;
	s25 =	rddreg [dreg:$0x3]  }
0x1e0: {  	s0 =	sor.u32 $0x1C06, s0;
	s18 =	rddreg [dreg:$0x5];
	s3 =	sshrl.u32 s25, $0x3  }
0x1e1: {  	[hbm:s18], [sflag:s0] =	dma.local [spmem:s3], $0x800  }
0x1e2: {  	_ =	swait.ge [sflag:s24], $0x800  }
0x1e3: {  	s29 =	rddreg [dreg:$0xa]  }
0x1e4: {  	s30 =	rddreg [dreg:$0x6];
	s3 =	sadd.s32 $0x1, s29  }
0x1e5: {  	p1 =	sne.s32 s3, s30  }
.Ltmp26:
0x1e6: {  	_ = 	snop;
	(pc) =	sbr.rel @p1 .LBB2_1-.Ltmp26, $3  }
0x1e7: {  	_ =	sdelay $0x1  }
0x1e8: {  	[sflag:s24] =	ssyncset.done $0x0  }
0x1e9: {  	[sflag:s24] =	ssyncadd.s32 $0xFFFFF800  }
0x1ea: {  	_ =	sfence.sel $0x180000  }
0x1eb: {  	[bflag:$0x0] =	sbarrier.arrive $0xFFFF  }
0x1ec: {  	_ =	strace $0x90000047  }
0x1ed: {  	[bflag:$0x2] =	sbarrier.arrive $0xFFFF  }
0x1ee: {  	s0 =	rddreg [dreg:$0x2]  }
0x1ef: {  	s0 =	sadd.s32 @!p0 $0x100000, s0  }
0x1f0: {  	[sflag:s0] =	ssyncadd.tile.s32 @!p0 $0x1;
	_ =	shalt  }
.Lfunc_end2:
_tile_overlayer_lowered:
.L_overlay_start_2:
0x1f1: {  	(tag) =	ssettag $0x2  }
0x1f2: {  	s0 =	rddreg [dreg:$0x0];
	s2 =	stileid.u32  }
0x1f3: {  	s1 =	rddreg [dreg:$0x1];
	p0 =	sne.s32 s2, $0x0  }
0x1f4: {  	s3 =	rddreg [dreg:$0x2];
	[bflag:$0x3] =	sbarrier.arrive $0xFFFF;
	s2 =	simm.s32 @!p0 $0x1C06  }
0x1f5: {  	[timem:s3], [sflag:s2] =	dma.local @!p0 [hbm:s0], s1  }
0x1f6: {  	s0 =	simm.s32 @!p0 $0x6  }
0x1f7: {  	_ =	swait.ge @!p0 [sflag:s0], s1  }
0x1f8: {  	s1 =	ssub.s32 @!p0 $0x0, s1;
	[sflag:s0] =	ssyncset.done @!p0 $0x0  }
0x1f9: {  	[sflag:s0] =	ssyncadd.s32 @!p0 s1  }
0x1fa: {  	[bflag:$0x3] =	sbarrier.arrive $0xFFFF  }
0x1fb: {  	_ =	shalt  }

</sc_bundles>
